<compile_context>
chip_gen: v7x
topology: tpu7x:2x2x1
jax: 0.10.2.dev20260603
libtpu: 0.0.44.dev20260713+nightly
codegen_flags: <defaults>
</compile_context>

<pallas_src>
import functools

import jax
import jax.numpy as jnp
from jax import lax
from jax.experimental import pallas as pl
from jax.experimental.pallas import tpu as pltpu
from jax.experimental.pallas import tpu_sc as plsc

_N = 1024
_E = 16384
_HID = 256
_HALF = _HID // 2
_MAX_DEGREE = 5
_T = 1.0

_NS = 16
_LANES = 16
_EPT = _E // _NS
_CH = 128
_NCHUNK = _EPT // _CH


_ZBUF = 4096


def _adj_scatter_body(edge_hbm, out_hbm,
                      srcv, dstv, idxv, onesv, halfv, zbuf, shared, sem,
                      scat_sem):
    c = lax.axis_index("c")
    s = lax.axis_index("s")

    zero16 = jnp.zeros((_LANES,), jnp.float32)

    def _zfill(i, carry):
        zbuf[pl.ds(i * _LANES, _LANES)] = zero16
        return carry

    lax.fori_loop(0, _ZBUF // _LANES, _zfill, 0)
    zchunk = (_N * _N) // _NS
    zcopies = [
        pltpu.async_copy(zbuf, shared.at[pl.ds(s * zchunk + m * _ZBUF, _ZBUF)],
                         sem)
        for m in range(zchunk // _ZBUF)
    ]

    base = s * _EPT
    pltpu.sync_copy(edge_hbm.at[0, pl.ds(base, _EPT)], srcv)
    pltpu.sync_copy(edge_hbm.at[1, pl.ds(base, _EPT)], dstv)

    ones16 = jnp.full((_LANES,), 1.0, jnp.float32)
    zero16f = jnp.zeros((_LANES,), jnp.float32)
    for i in range(_CH // _LANES):
        onesv[pl.ds(i * _LANES, _LANES)] = ones16
        halfv[pl.ds(i * _LANES, _LANES)] = (
            ones16 if i < (_CH // _LANES) // 2 else zero16f)

    per_row = _CH // _LANES

    def _idx_fill(i, carry):
        sv = srcv[pl.ds(i * _LANES, _LANES)]
        dv = dstv[pl.ds(i * _LANES, _LANES)]
        row = jnp.where(c == 0, dv, sv)
        col = jnp.where(c == 0, sv, dv)
        idxv[i // per_row, pl.ds((i % per_row) * _LANES, _LANES)] = row * _N + col
        return carry

    lax.fori_loop(0, _EPT // _LANES, _idx_fill, 0)

    iota16 = lax.broadcasted_iota(jnp.int32, (_LANES,), 0)
    for i in range(_CH // _LANES):
        r16 = s * 64 + (i % 4) * _LANES + iota16
        idxv[_NCHUNK, pl.ds(i * _LANES, _LANES)] = r16 * (_N + 1)

    for zc in zcopies:
        zc.wait()
    plsc.subcore_barrier()
    descs = [pltpu.async_copy(onesv, shared.at[idxv.at[j]], scat_sem, add=True)
             for j in range(_NCHUNK)]

    @pl.when(c == 1)
    def _loops():
        pltpu.sync_copy(halfv, shared.at[idxv.at[_NCHUNK]], add=True)

    for d in descs:
        d.wait()
    plsc.subcore_barrier()
    pltpu.sync_copy(shared.at[pl.ds(s * zchunk, zchunk)],
                    out_hbm.at[c, pl.ds(s * zchunk, zchunk)])


@functools.cache
def _adj_scatter():
    return pl.kernel(
        _adj_scatter_body,
        out_type=jax.ShapeDtypeStruct((2, _N * _N), jnp.float32),
        mesh=plsc.VectorSubcoreMesh(core_axis_name="c", subcore_axis_name="s"),
        scratch_types=[
            pltpu.VMEM((_EPT,), jnp.int32),
            pltpu.VMEM((_EPT,), jnp.int32),
            pltpu.VMEM((_NCHUNK + 1, _CH), jnp.int32),
            pltpu.VMEM((_CH,), jnp.float32),
            pltpu.VMEM((_CH,), jnp.float32),
            pltpu.VMEM((_ZBUF,), jnp.float32),
            pltpu.VMEM_SHARED((_N * _N,), jnp.float32),
            pltpu.SemaphoreType.DMA,
            pltpu.SemaphoreType.DMA,
        ],
    )


def _rot_partner(z):
    zm1 = jnp.concatenate([z[:, 1:], z[:, :1]], axis=1)
    zp1 = jnp.concatenate([z[:, -1:], z[:, :-1]], axis=1)
    lane = lax.broadcasted_iota(jnp.int32, z.shape, 1)
    return jnp.where(lane % 2 == 0, zm1, -zp1)


def _dense_body(adj2_ref, x_ref, wl1_ref, wr1_ref, b1_ref, wl2_ref, wr2_ref,
                b2_ref, wa_ref, ba_ref, w_ref, bb_ref, out_ref):
    f32 = jnp.float32
    b1 = b1_ref[...].reshape(1, -1)
    b2 = b2_ref[...].reshape(1, -1)
    ba = ba_ref[...].reshape(1, 1)
    bb = bb_ref[...].reshape(1, -1)
    adjc = adj2_ref[0].reshape(_N, _N)
    adjs = adj2_ref[1].reshape(_N, _N)
    x = x_ref[...]

    cnt = jnp.sum(adjc, axis=1, keepdims=True)
    inv_cnt = 1.0 / jnp.maximum(cnt, 1.0)

    deg_col = jnp.sum(adjs, axis=1, keepdims=True)
    deg_row = 1.0 + jnp.sum(adjc, axis=0, keepdims=True)
    na = jnp.where(adjs > 0.0, lax.rsqrt(deg_col) * lax.rsqrt(deg_row), 0.0)

    bf16 = jnp.bfloat16
    adjc_b = adjc.astype(bf16)
    x_b = x.astype(bf16)
    mean1 = jnp.dot(adjc_b, x_b, preferred_element_type=f32) * inv_cnt
    h1 = jnp.maximum(
        jnp.dot(mean1.astype(bf16), wl1_ref[...].astype(bf16),
                preferred_element_type=f32)
        + jnp.dot(x_b, wr1_ref[...].astype(bf16), preferred_element_type=f32)
        + b1, 0.0)
    mean2 = jnp.dot(adjc_b, h1.astype(bf16), preferred_element_type=f32) * inv_cnt
    h2 = jnp.maximum(
        jnp.dot(mean2.astype(bf16), wl2_ref[...].astype(bf16),
                preferred_element_type=f32)
        + jnp.dot(h1.astype(bf16), wr2_ref[...].astype(bf16),
                  preferred_element_type=f32)
        + b2, 0.0)
    ang = jnp.dot(h2, wa_ref[...], preferred_element_type=f32) + ba
    co = jnp.cos(ang)
    si = jnp.sin(ang)

    z = jnp.dot(x_b, w_ref[...].astype(bf16), preferred_element_type=f32) + bb
    acc = co * z + si * _rot_partner(z)
    term = acc
    na_b = na.astype(bf16)
    for k in range(1, _MAX_DEGREE + 1):
        term = (-_T / k) * (
            term - jnp.dot(na_b, term.astype(bf16), preferred_element_type=f32))
        acc = acc + term

    out_ref[...] = jnp.maximum(co * acc - si * _rot_partner(acc), 0.0)


def kernel(x, edge_index, Wl1, Wr1, b1, Wl2, Wr2, b2, Wa, ba, W, b):
    adj2 = _adj_scatter()(edge_index)

    return pl.pallas_call(
        _dense_body,
        out_shape=jax.ShapeDtypeStruct((_N, _HID), jnp.float32),
    )(adj2, x, Wl1, Wr1, b1, Wl2, Wr2, b2, Wa, ba, W, b)

# --- scband reference (transcript-rebuilt; emitter-appended) ---
"""Pipeline reference for scband-inductive-bu-nnlayer-51049981280278 (READ-ONLY COPY).

The authoritative reference and input builder live on the scoring server;
editing this copy changes nothing except your own understanding.
"""

import jax, jax.numpy as jnp
import numpy as np

N = 1024
E = 16384
IN_DIM = 256
HID = 256
D = 2
NUM_BUNDLES = HID // D
MAX_DEGREE = 5
T = 1.0


def setup_inputs(seed: int = 0) -> dict:
    key = jax.random.key(seed)
    ks = jax.random.split(key, 12)
    x = jax.random.normal(ks[0], (N, IN_DIM), dtype=jnp.float32)
    edge_index = jax.random.randint(ks[1], (2, E), 0, N, dtype=jnp.int32)
    s = 0.05
    Wl1 = jax.random.normal(ks[2], (IN_DIM, IN_DIM // 2), dtype=jnp.float32) * s
    Wr1 = jax.random.normal(ks[3], (IN_DIM, IN_DIM // 2), dtype=jnp.float32) * s
    b1 = jnp.zeros((IN_DIM // 2,), jnp.float32)
    Wl2 = jax.random.normal(ks[4], (IN_DIM // 2, IN_DIM // 4), dtype=jnp.float32) * s
    Wr2 = jax.random.normal(ks[5], (IN_DIM // 2, IN_DIM // 4), dtype=jnp.float32) * s
    b2 = jnp.zeros((IN_DIM // 4,), jnp.float32)
    Wa = jax.random.normal(ks[6], (IN_DIM // 4, 1), dtype=jnp.float32) * s
    ba = jnp.zeros((1,), jnp.float32)
    W = jax.random.normal(ks[7], (IN_DIM, HID), dtype=jnp.float32) * s
    b = jnp.zeros((HID,), jnp.float32)
    return {"x": x, "edge_index": edge_index, "Wl1": Wl1, "Wr1": Wr1, "b1": b1,
            "Wl2": Wl2, "Wr2": Wr2, "b2": b2, "Wa": Wa, "ba": ba, "W": W, "b": b}


def _sage_conv(x, src, dst, Wl, Wr, b, n):
    # PyG SAGEConv (mean aggregation): lin_l(mean_{j in N(i)} x_j) + lin_r(x_i) + bias
    msg = x[src]
    agg = jax.ops.segment_sum(msg, dst, num_segments=n)
    cnt = jax.ops.segment_sum(jnp.ones((src.shape[0],), x.dtype), dst, num_segments=n)
    mean = agg / jnp.clip(cnt, 1.0)[:, None]
    return mean @ Wl + x @ Wr + b


def _heat_kernel(src, dst, n, t, max_degree):
    loops = jnp.arange(n, dtype=src.dtype)
    row = jnp.concatenate([src, loops])
    col = jnp.concatenate([dst, loops])
    deg = jax.ops.segment_sum(jnp.ones(row.shape[0], jnp.float32), row, num_segments=n)
    dis = jnp.where(deg > 0, deg ** -0.5, 0.0)
    adj = jnp.zeros((n, n), jnp.float32).at[row, col].set(1.0)
    na = dis[:, None] * adj * dis[None, :]
    L = jnp.eye(n, dtype=jnp.float32) - na
    result = jnp.eye(n, dtype=jnp.float32)
    term = jnp.eye(n, dtype=jnp.float32)
    for k in range(1, max_degree + 1):
        term = (-t) * (L @ term) / k
        result = result + term
    return result


def reference(x, edge_index, Wl1, Wr1, b1, Wl2, Wr2, b2, Wa, ba, W, b):
    n = x.shape[0]
    src = edge_index[0]
    dst = edge_index[1]
    # Bundle map learner: 2-layer SAGE -> angle head -> 2x2 rotations
    h = jax.nn.relu(_sage_conv(x, src, dst, Wl1, Wr1, b1, n))
    h = jax.nn.relu(_sage_conv(h, src, dst, Wl2, Wr2, b2, n))
    ang = (h @ Wa + ba)[:, 0]
    c = jnp.cos(ang)
    s = jnp.sin(ang)
    O = jnp.stack([jnp.stack([c, -s], axis=-1), jnp.stack([s, c], axis=-1)], axis=-2)  # [n,2,2]
    # Graph heat kernel exp(-t L) via Taylor series
    H = _heat_kernel(src, dst, n, T, MAX_DEGREE)
    # Bundle diffusion: rotate into local frame, diffuse over nodes, rotate back
    z = (x @ W + b).reshape(n, NUM_BUNDLES, D)
    z = jnp.einsum('nkd,nde->nke', z, O)      # apply O^T per node
    z = jnp.einsum('nm,mke->nke', H, z)       # heat diffusion
    z = jnp.einsum('nde,nke->nkd', O, z)      # apply O per node
    return jax.nn.relu(z.reshape(n, HID))

if __name__ == "__main__":
    import jax
    _d = setup_inputs()
    print(jax.jit(kernel)(*tuple(_d.values())))

</pallas_src>

<mosaic_0001>
#map = affine_map<(d0, d1) -> (0, 0)>
module attributes {stable_mosaic.version = 14 : i64} {
  func.func @_adj_scatter_body(%arg0: i32, %arg1: i32, %arg2: memref<2x16384xi32, #tpu.memory_space<hbm>>, %arg3: memref<2x1048576xf32, #tpu.memory_space<hbm>>, %arg4: memref<1024xi32, #tpu.memory_space<vmem>>, %arg5: memref<1024xi32, #tpu.memory_space<vmem>>, %arg6: memref<9x128xi32, #tpu.memory_space<vmem>>, %arg7: memref<128xf32, #tpu.memory_space<vmem>>, %arg8: memref<128xf32, #tpu.memory_space<vmem>>, %arg9: memref<4096xf32, #tpu.memory_space<vmem>>, %arg10: memref<1048576xf32, #tpu.memory_space<vmem_shared>>, %arg11: memref<!tpu.dma_semaphore, #tpu.memory_space<semaphore_mem>>, %arg12: memref<!tpu.dma_semaphore, #tpu.memory_space<semaphore_mem>>) attributes {dimension_semantics = [#tpu.dimension_semantics<core_parallel>, #tpu.dimension_semantics<subcore_parallel>], iteration_bounds = array<i64: 2, 16>, scalar_prefetch = 0 : i64, scratch_operands = 9 : i64, tpu.core_type = #tpu.core_type<sc_vector_subcore>, window_params = [{transform_indices = #map}, {transform_indices = #map}]} {
    %broadcast_in_dim3A = arith.constant 0.000000e+00 : f32
    %broadcast_in_dim3A_0 = vector.broadcast %broadcast_in_dim3A : f32 to vector<16xf32>
    %scan3A = arith.constant 0 : i32
    %scan3A_1 = arith.constant 0 : i32
    %scan3A_2 = arith.constant 256 : i32
    %scan3A_3 = arith.addi %scan3A_1, %scan3A_2 : i32
    %scan3A_4 = arith.constant 1 : i32
    scf.for %scan3A_429 = %scan3A_1 to %scan3A_3 step %scan3A_4  : i32 {
      %mul3A_430 = arith.constant 16 : i32
      %mul3A_431 = arith.muli %scan3A_429, %mul3A_430 : i32
      %swap3A_432 = arith.index_cast %mul3A_431 : i32 to index
      %swap3A_433 = tpu.vector_load %arg9[%swap3A_432] {strides = array<i32>} : memref<4096xf32, #tpu.memory_space<vmem>>, vector<16xf32>,
      %swap3A_434 = vector.shape_cast %swap3A_433 : vector<16xf32> to vector<16xf32>
      %swap3A_435 = vector.shape_cast %broadcast_in_dim3A_0 : vector<16xf32> to vector<16xf32>
      tpu.vector_store %arg9[%swap3A_432], %swap3A_435 {strides = array<i32>} : memref<4096xf32, #tpu.memory_space<vmem>>, vector<16xf32>,
    }
    %scan3A_5 = arith.constant 256 : i32
    %mul3A = arith.constant 65536 : i32
    %mul3A_6 = arith.muli %arg1, %mul3A : i32
    %add3A = arith.constant 0 : i32
    %add3A_7 = arith.addi %mul3A_6, %add3A : i32
    %dma_start3A = tpu.memref_slice %arg10[%add3A_7] : memref<1048576xf32, #tpu.memory_space<vmem_shared>> -> memref<4096xf32, #tpu.memory_space<vmem_shared>>
    %dma_start3A_8 = tpu.memref_slice %arg10[%add3A_7] : memref<1048576xf32, #tpu.memory_space<vmem_shared>> -> memref<4096xf32, #tpu.memory_space<vmem_shared>>
    tpu.enqueue_dma source(%arg9 : memref<4096xf32, #tpu.memory_space<vmem>>) target(%dma_start3A_8 : memref<4096xf32, #tpu.memory_space<vmem_shared>>) target_semaphore(%arg11 : memref<!tpu.dma_semaphore, #tpu.memory_space<semaphore_mem>>)
    %mul3A_9 = arith.constant 65536 : i32
    %mul3A_10 = arith.muli %arg1, %mul3A_9 : i32
    %add3A_11 = arith.constant 4096 : i32
    %add3A_12 = arith.addi %mul3A_10, %add3A_11 : i32
    %dma_start3A_13 = tpu.memref_slice %arg10[%add3A_12] : memref<1048576xf32, #tpu.memory_space<vmem_shared>> -> memref<4096xf32, #tpu.memory_space<vmem_shared>>
    %dma_start3A_14 = tpu.memref_slice %arg10[%add3A_12] : memref<1048576xf32, #tpu.memory_space<vmem_shared>> -> memref<4096xf32, #tpu.memory_space<vmem_shared>>
    tpu.enqueue_dma source(%arg9 : memref<4096xf32, #tpu.memory_space<vmem>>) target(%dma_start3A_14 : memref<4096xf32, #tpu.memory_space<vmem_shared>>) target_semaphore(%arg11 : memref<!tpu.dma_semaphore, #tpu.memory_space<semaphore_mem>>)
    %mul3A_15 = arith.constant 65536 : i32
    %mul3A_16 = arith.muli %arg1, %mul3A_15 : i32
    %add3A_17 = arith.constant 8192 : i32
    %add3A_18 = arith.addi %mul3A_16, %add3A_17 : i32
    %dma_start3A_19 = tpu.memref_slice %arg10[%add3A_18] : memref<1048576xf32, #tpu.memory_space<vmem_shared>> -> memref<4096xf32, #tpu.memory_space<vmem_shared>>
    %dma_start3A_20 = tpu.memref_slice %arg10[%add3A_18] : memref<1048576xf32, #tpu.memory_space<vmem_shared>> -> memref<4096xf32, #tpu.memory_space<vmem_shared>>
    tpu.enqueue_dma source(%arg9 : memref<4096xf32, #tpu.memory_space<vmem>>) target(%dma_start3A_20 : memref<4096xf32, #tpu.memory_space<vmem_shared>>) target_semaphore(%arg11 : memref<!tpu.dma_semaphore, #tpu.memory_space<semaphore_mem>>)
    %mul3A_21 = arith.constant 65536 : i32
    %mul3A_22 = arith.muli %arg1, %mul3A_21 : i32
    %add3A_23 = arith.constant 12288 : i32
    %add3A_24 = arith.addi %mul3A_22, %add3A_23 : i32
    %dma_start3A_25 = tpu.memref_slice %arg10[%add3A_24] : memref<1048576xf32, #tpu.memory_space<vmem_shared>> -> memref<4096xf32, #tpu.memory_space<vmem_shared>>
    %dma_start3A_26 = tpu.memref_slice %arg10[%add3A_24] : memref<1048576xf32, #tpu.memory_space<vmem_shared>> -> memref<4096xf32, #tpu.memory_space<vmem_shared>>
    tpu.enqueue_dma source(%arg9 : memref<4096xf32, #tpu.memory_space<vmem>>) target(%dma_start3A_26 : memref<4096xf32, #tpu.memory_space<vmem_shared>>) target_semaphore(%arg11 : memref<!tpu.dma_semaphore, #tpu.memory_space<semaphore_mem>>)
    %mul3A_27 = arith.constant 65536 : i32
    %mul3A_28 = arith.muli %arg1, %mul3A_27 : i32
    %add3A_29 = arith.constant 16384 : i32
    %add3A_30 = arith.addi %mul3A_28, %add3A_29 : i32
    %dma_start3A_31 = tpu.memref_slice %arg10[%add3A_30] : memref<1048576xf32, #tpu.memory_space<vmem_shared>> -> memref<4096xf32, #tpu.memory_space<vmem_shared>>
    %dma_start3A_32 = tpu.memref_slice %arg10[%add3A_30] : memref<1048576xf32, #tpu.memory_space<vmem_shared>> -> memref<4096xf32, #tpu.memory_space<vmem_shared>>
    tpu.enqueue_dma source(%arg9 : memref<4096xf32, #tpu.memory_space<vmem>>) target(%dma_start3A_32 : memref<4096xf32, #tpu.memory_space<vmem_shared>>) target_semaphore(%arg11 : memref<!tpu.dma_semaphore, #tpu.memory_space<semaphore_mem>>)
    %mul3A_33 = arith.constant 65536 : i32
    %mul3A_34 = arith.muli %arg1, %mul3A_33 : i32
    %add3A_35 = arith.constant 20480 : i32
    %add3A_36 = arith.addi %mul3A_34, %add3A_35 : i32
    %dma_start3A_37 = tpu.memref_slice %arg10[%add3A_36] : memref<1048576xf32, #tpu.memory_space<vmem_shared>> -> memref<4096xf32, #tpu.memory_space<vmem_shared>>
    %dma_start3A_38 = tpu.memref_slice %arg10[%add3A_36] : memref<1048576xf32, #tpu.memory_space<vmem_shared>> -> memref<4096xf32, #tpu.memory_space<vmem_shared>>
    tpu.enqueue_dma source(%arg9 : memref<4096xf32, #tpu.memory_space<vmem>>) target(%dma_start3A_38 : memref<4096xf32, #tpu.memory_space<vmem_shared>>) target_semaphore(%arg11 : memref<!tpu.dma_semaphore, #tpu.memory_space<semaphore_mem>>)
    %mul3A_39 = arith.constant 65536 : i32
    %mul3A_40 = arith.muli %arg1, %mul3A_39 : i32
    %add3A_41 = arith.constant 24576 : i32
    %add3A_42 = arith.addi %mul3A_40, %add3A_41 : i32
    %dma_start3A_43 = tpu.memref_slice %arg10[%add3A_42] : memref<1048576xf32, #tpu.memory_space<vmem_shared>> -> memref<4096xf32, #tpu.memory_space<vmem_shared>>
    %dma_start3A_44 = tpu.memref_slice %arg10[%add3A_42] : memref<1048576xf32, #tpu.memory_space<vmem_shared>> -> memref<4096xf32, #tpu.memory_space<vmem_shared>>
    tpu.enqueue_dma source(%arg9 : memref<4096xf32, #tpu.memory_space<vmem>>) target(%dma_start3A_44 : memref<4096xf32, #tpu.memory_space<vmem_shared>>) target_semaphore(%arg11 : memref<!tpu.dma_semaphore, #tpu.memory_space<semaphore_mem>>)
    %mul3A_45 = arith.constant 65536 : i32
    %mul3A_46 = arith.muli %arg1, %mul3A_45 : i32
    %add3A_47 = arith.constant 28672 : i32
    %add3A_48 = arith.addi %mul3A_46, %add3A_47 : i32
    %dma_start3A_49 = tpu.memref_slice %arg10[%add3A_48] : memref<1048576xf32, #tpu.memory_space<vmem_shared>> -> memref<4096xf32, #tpu.memory_space<vmem_shared>>
    %dma_start3A_50 = tpu.memref_slice %arg10[%add3A_48] : memref<1048576xf32, #tpu.memory_space<vmem_shared>> -> memref<4096xf32, #tpu.memory_space<vmem_shared>>
    tpu.enqueue_dma source(%arg9 : memref<4096xf32, #tpu.memory_space<vmem>>) target(%dma_start3A_50 : memref<4096xf32, #tpu.memory_space<vmem_shared>>) target_semaphore(%arg11 : memref<!tpu.dma_semaphore, #tpu.memory_space<semaphore_mem>>)
    %mul3A_51 = arith.constant 65536 : i32
    %mul3A_52 = arith.muli %arg1, %mul3A_51 : i32
    %add3A_53 = arith.constant 32768 : i32
    %add3A_54 = arith.addi %mul3A_52, %add3A_53 : i32
    %dma_start3A_55 = tpu.memref_slice %arg10[%add3A_54] : memref<1048576xf32, #tpu.memory_space<vmem_shared>> -> memref<4096xf32, #tpu.memory_space<vmem_shared>>
    %dma_start3A_56 = tpu.memref_slice %arg10[%add3A_54] : memref<1048576xf32, #tpu.memory_space<vmem_shared>> -> memref<4096xf32, #tpu.memory_space<vmem_shared>>
    tpu.enqueue_dma source(%arg9 : memref<4096xf32, #tpu.memory_space<vmem>>) target(%dma_start3A_56 : memref<4096xf32, #tpu.memory_space<vmem_shared>>) target_semaphore(%arg11 : memref<!tpu.dma_semaphore, #tpu.memory_space<semaphore_mem>>)
    %mul3A_57 = arith.constant 65536 : i32
    %mul3A_58 = arith.muli %arg1, %mul3A_57 : i32
    %add3A_59 = arith.constant 36864 : i32
    %add3A_60 = arith.addi %mul3A_58, %add3A_59 : i32
    %dma_start3A_61 = tpu.memref_slice %arg10[%add3A_60] : memref<1048576xf32, #tpu.memory_space<vmem_shared>> -> memref<4096xf32, #tpu.memory_space<vmem_shared>>
    %dma_start3A_62 = tpu.memref_slice %arg10[%add3A_60] : memref<1048576xf32, #tpu.memory_space<vmem_shared>> -> memref<4096xf32, #tpu.memory_space<vmem_shared>>
    tpu.enqueue_dma source(%arg9 : memref<4096xf32, #tpu.memory_space<vmem>>) target(%dma_start3A_62 : memref<4096xf32, #tpu.memory_space<vmem_shared>>) target_semaphore(%arg11 : memref<!tpu.dma_semaphore, #tpu.memory_space<semaphore_mem>>)
    %mul3A_63 = arith.constant 65536 : i32
    %mul3A_64 = arith.muli %arg1, %mul3A_63 : i32
    %add3A_65 = arith.constant 40960 : i32
    %add3A_66 = arith.addi %mul3A_64, %add3A_65 : i32
    %dma_start3A_67 = tpu.memref_slice %arg10[%add3A_66] : memref<1048576xf32, #tpu.memory_space<vmem_shared>> -> memref<4096xf32, #tpu.memory_space<vmem_shared>>
    %dma_start3A_68 = tpu.memref_slice %arg10[%add3A_66] : memref<1048576xf32, #tpu.memory_space<vmem_shared>> -> memref<4096xf32, #tpu.memory_space<vmem_shared>>
    tpu.enqueue_dma source(%arg9 : memref<4096xf32, #tpu.memory_space<vmem>>) target(%dma_start3A_68 : memref<4096xf32, #tpu.memory_space<vmem_shared>>) target_semaphore(%arg11 : memref<!tpu.dma_semaphore, #tpu.memory_space<semaphore_mem>>)
    %mul3A_69 = arith.constant 65536 : i32
    %mul3A_70 = arith.muli %arg1, %mul3A_69 : i32
    %add3A_71 = arith.constant 45056 : i32
    %add3A_72 = arith.addi %mul3A_70, %add3A_71 : i32
    %dma_start3A_73 = tpu.memref_slice %arg10[%add3A_72] : memref<1048576xf32, #tpu.memory_space<vmem_shared>> -> memref<4096xf32, #tpu.memory_space<vmem_shared>>
    %dma_start3A_74 = tpu.memref_slice %arg10[%add3A_72] : memref<1048576xf32, #tpu.memory_space<vmem_shared>> -> memref<4096xf32, #tpu.memory_space<vmem_shared>>
    tpu.enqueue_dma source(%arg9 : memref<4096xf32, #tpu.memory_space<vmem>>) target(%dma_start3A_74 : memref<4096xf32, #tpu.memory_space<vmem_shared>>) target_semaphore(%arg11 : memref<!tpu.dma_semaphore, #tpu.memory_space<semaphore_mem>>)
    %mul3A_75 = arith.constant 65536 : i32
    %mul3A_76 = arith.muli %arg1, %mul3A_75 : i32
    %add3A_77 = arith.constant 49152 : i32
    %add3A_78 = arith.addi %mul3A_76, %add3A_77 : i32
    %dma_start3A_79 = tpu.memref_slice %arg10[%add3A_78] : memref<1048576xf32, #tpu.memory_space<vmem_shared>> -> memref<4096xf32, #tpu.memory_space<vmem_shared>>
    %dma_start3A_80 = tpu.memref_slice %arg10[%add3A_78] : memref<1048576xf32, #tpu.memory_space<vmem_shared>> -> memref<4096xf32, #tpu.memory_space<vmem_shared>>
    tpu.enqueue_dma source(%arg9 : memref<4096xf32, #tpu.memory_space<vmem>>) target(%dma_start3A_80 : memref<4096xf32, #tpu.memory_space<vmem_shared>>) target_semaphore(%arg11 : memref<!tpu.dma_semaphore, #tpu.memory_space<semaphore_mem>>)
    %mul3A_81 = arith.constant 65536 : i32
    %mul3A_82 = arith.muli %arg1, %mul3A_81 : i32
    %add3A_83 = arith.constant 53248 : i32
    %add3A_84 = arith.addi %mul3A_82, %add3A_83 : i32
    %dma_start3A_85 = tpu.memref_slice %arg10[%add3A_84] : memref<1048576xf32, #tpu.memory_space<vmem_shared>> -> memref<4096xf32, #tpu.memory_space<vmem_shared>>
    %dma_start3A_86 = tpu.memref_slice %arg10[%add3A_84] : memref<1048576xf32, #tpu.memory_space<vmem_shared>> -> memref<4096xf32, #tpu.memory_space<vmem_shared>>
    tpu.enqueue_dma source(%arg9 : memref<4096xf32, #tpu.memory_space<vmem>>) target(%dma_start3A_86 : memref<4096xf32, #tpu.memory_space<vmem_shared>>) target_semaphore(%arg11 : memref<!tpu.dma_semaphore, #tpu.memory_space<semaphore_mem>>)
    %mul3A_87 = arith.constant 65536 : i32
    %mul3A_88 = arith.muli %arg1, %mul3A_87 : i32
    %add3A_89 = arith.constant 57344 : i32
    %add3A_90 = arith.addi %mul3A_88, %add3A_89 : i32
    %dma_start3A_91 = tpu.memref_slice %arg10[%add3A_90] : memref<1048576xf32, #tpu.memory_space<vmem_shared>> -> memref<4096xf32, #tpu.memory_space<vmem_shared>>
    %dma_start3A_92 = tpu.memref_slice %arg10[%add3A_90] : memref<1048576xf32, #tpu.memory_space<vmem_shared>> -> memref<4096xf32, #tpu.memory_space<vmem_shared>>
    tpu.enqueue_dma source(%arg9 : memref<4096xf32, #tpu.memory_space<vmem>>) target(%dma_start3A_92 : memref<4096xf32, #tpu.memory_space<vmem_shared>>) target_semaphore(%arg11 : memref<!tpu.dma_semaphore, #tpu.memory_space<semaphore_mem>>)
    %mul3A_93 = arith.constant 65536 : i32
    %mul3A_94 = arith.muli %arg1, %mul3A_93 : i32
    %add3A_95 = arith.constant 61440 : i32
    %add3A_96 = arith.addi %mul3A_94, %add3A_95 : i32
    %dma_start3A_97 = tpu.memref_slice %arg10[%add3A_96] : memref<1048576xf32, #tpu.memory_space<vmem_shared>> -> memref<4096xf32, #tpu.memory_space<vmem_shared>>
    %dma_start3A_98 = tpu.memref_slice %arg10[%add3A_96] : memref<1048576xf32, #tpu.memory_space<vmem_shared>> -> memref<4096xf32, #tpu.memory_space<vmem_shared>>
    tpu.enqueue_dma source(%arg9 : memref<4096xf32, #tpu.memory_space<vmem>>) target(%dma_start3A_98 : memref<4096xf32, #tpu.memory_space<vmem_shared>>) target_semaphore(%arg11 : memref<!tpu.dma_semaphore, #tpu.memory_space<semaphore_mem>>)
    %mul3A_99 = arith.constant 1024 : i32
    %mul3A_100 = arith.muli %arg1, %mul3A_99 : i32
    %run_scoped3A = arith.constant 0 : i32
    "tpu.region"() ({
      %run_scoped3A_429 = tpu.sem_alloc : memref<!tpu.dma_semaphore, #tpu.memory_space<semaphore_mem>>
      %dma_start3A_430 = tpu.memref_slice %arg2[%run_scoped3A, %mul3A_100] : memref<2x16384xi32, #tpu.memory_space<hbm>> -> memref<1x1024xi32, #tpu.memory_space<hbm>>
      %dma_start3A_431 = tpu.memref_squeeze %dma_start3A_430 : memref<1x1024xi32, #tpu.memory_space<hbm>> -> memref<1024xi32, #tpu.memory_space<hbm>>
      %dma_start3A_432 = tpu.memref_slice %arg2[%run_scoped3A, %mul3A_100] : memref<2x16384xi32, #tpu.memory_space<hbm>> -> memref<1x1024xi32, #tpu.memory_space<hbm>>
      %dma_start3A_433 = tpu.memref_squeeze %dma_start3A_432 : memref<1x1024xi32, #tpu.memory_space<hbm>> -> memref<1024xi32, #tpu.memory_space<hbm>>
      tpu.enqueue_dma source(%dma_start3A_433 : memref<1024xi32, #tpu.memory_space<hbm>>) target(%arg4 : memref<1024xi32, #tpu.memory_space<vmem>>) target_semaphore(%run_scoped3A_429 : memref<!tpu.dma_semaphore, #tpu.memory_space<semaphore_mem>>)
      %dma_wait3A_434 = tpu.memref_slice %arg2[%run_scoped3A, %mul3A_100] : memref<2x16384xi32, #tpu.memory_space<hbm>> -> memref<1x1024xi32, #tpu.memory_space<hbm>>
      %dma_wait3A_435 = tpu.memref_squeeze %dma_wait3A_434 : memref<1x1024xi32, #tpu.memory_space<hbm>> -> memref<1024xi32, #tpu.memory_space<hbm>>
      %dma_wait3A_436 = tpu.memref_slice %arg2[%run_scoped3A, %mul3A_100] : memref<2x16384xi32, #tpu.memory_space<hbm>> -> memref<1x1024xi32, #tpu.memory_space<hbm>>
      %dma_wait3A_437 = tpu.memref_squeeze %dma_wait3A_436 : memref<1x1024xi32, #tpu.memory_space<hbm>> -> memref<1024xi32, #tpu.memory_space<hbm>>
      tpu.wait_dma2 semaphore(%run_scoped3A_429 : memref<!tpu.dma_semaphore, #tpu.memory_space<semaphore_mem>>) src(%dma_wait3A_437 : memref<1024xi32, #tpu.memory_space<hbm>>) dst(%arg4 : memref<1024xi32, #tpu.memory_space<vmem>>)
      tpu.yield
    }) : () -> ()
    %run_scoped3A_101 = arith.constant 1 : i32
    "tpu.region"() ({
      %run_scoped3A_429 = tpu.sem_alloc : memref<!tpu.dma_semaphore, #tpu.memory_space<semaphore_mem>>
      %dma_start3A_430 = tpu.memref_slice %arg2[%run_scoped3A_101, %mul3A_100] : memref<2x16384xi32, #tpu.memory_space<hbm>> -> memref<1x1024xi32, #tpu.memory_space<hbm>>
      %dma_start3A_431 = tpu.memref_squeeze %dma_start3A_430 : memref<1x1024xi32, #tpu.memory_space<hbm>> -> memref<1024xi32, #tpu.memory_space<hbm>>
      %dma_start3A_432 = tpu.memref_slice %arg2[%run_scoped3A_101, %mul3A_100] : memref<2x16384xi32, #tpu.memory_space<hbm>> -> memref<1x1024xi32, #tpu.memory_space<hbm>>
      %dma_start3A_433 = tpu.memref_squeeze %dma_start3A_432 : memref<1x1024xi32, #tpu.memory_space<hbm>> -> memref<1024xi32, #tpu.memory_space<hbm>>
      tpu.enqueue_dma source(%dma_start3A_433 : memref<1024xi32, #tpu.memory_space<hbm>>) target(%arg5 : memref<1024xi32, #tpu.memory_space<vmem>>) target_semaphore(%run_scoped3A_429 : memref<!tpu.dma_semaphore, #tpu.memory_space<semaphore_mem>>)
      %dma_wait3A_434 = tpu.memref_slice %arg2[%run_scoped3A_101, %mul3A_100] : memref<2x16384xi32, #tpu.memory_space<hbm>> -> memref<1x1024xi32, #tpu.memory_space<hbm>>
      %dma_wait3A_435 = tpu.memref_squeeze %dma_wait3A_434 : memref<1x1024xi32, #tpu.memory_space<hbm>> -> memref<1024xi32, #tpu.memory_space<hbm>>
      %dma_wait3A_436 = tpu.memref_slice %arg2[%run_scoped3A_101, %mul3A_100] : memref<2x16384xi32, #tpu.memory_space<hbm>> -> memref<1x1024xi32, #tpu.memory_space<hbm>>
      %dma_wait3A_437 = tpu.memref_squeeze %dma_wait3A_436 : memref<1x1024xi32, #tpu.memory_space<hbm>> -> memref<1024xi32, #tpu.memory_space<hbm>>
      tpu.wait_dma2 semaphore(%run_scoped3A_429 : memref<!tpu.dma_semaphore, #tpu.memory_space<semaphore_mem>>) src(%dma_wait3A_437 : memref<1024xi32, #tpu.memory_space<hbm>>) dst(%arg5 : memref<1024xi32, #tpu.memory_space<vmem>>)
      tpu.yield
    }) : () -> ()
    %broadcast_in_dim3A_102 = arith.constant 1.000000e+00 : f32
    %broadcast_in_dim3A_103 = vector.broadcast %broadcast_in_dim3A_102 : f32 to vector<16xf32>
    %broadcast_in_dim3A_104 = arith.constant 0.000000e+00 : f32
    %broadcast_in_dim3A_105 = vector.broadcast %broadcast_in_dim3A_104 : f32 to vector<16xf32>
    %swap3A = arith.constant 0 : index
    %swap3A_106 = tpu.vector_load %arg7[%swap3A] {strides = array<i32>} : memref<128xf32, #tpu.memory_space<vmem>>, vector<16xf32>,
    %swap3A_107 = vector.shape_cast %swap3A_106 : vector<16xf32> to vector<16xf32>
    %swap3A_108 = vector.shape_cast %broadcast_in_dim3A_103 : vector<16xf32> to vector<16xf32>
    tpu.vector_store %arg7[%swap3A], %swap3A_108 {strides = array<i32>} : memref<128xf32, #tpu.memory_space<vmem>>, vector<16xf32>,
    %swap3A_109 = arith.constant 0 : index
    %swap3A_110 = tpu.vector_load %arg8[%swap3A_109] {strides = array<i32>} : memref<128xf32, #tpu.memory_space<vmem>>, vector<16xf32>,
    %swap3A_111 = vector.shape_cast %swap3A_110 : vector<16xf32> to vector<16xf32>
    %swap3A_112 = vector.shape_cast %broadcast_in_dim3A_103 : vector<16xf32> to vector<16xf32>
    tpu.vector_store %arg8[%swap3A_109], %swap3A_112 {strides = array<i32>} : memref<128xf32, #tpu.memory_space<vmem>>, vector<16xf32>,
    %swap3A_113 = arith.constant 16 : index
    %swap3A_114 = tpu.vector_load %arg7[%swap3A_113] {strides = array<i32>} : memref<128xf32, #tpu.memory_space<vmem>>, vector<16xf32>,
    %swap3A_115 = vector.shape_cast %swap3A_114 : vector<16xf32> to vector<16xf32>
    %swap3A_116 = vector.shape_cast %broadcast_in_dim3A_103 : vector<16xf32> to vector<16xf32>
    tpu.vector_store %arg7[%swap3A_113], %swap3A_116 {strides = array<i32>} : memref<128xf32, #tpu.memory_space<vmem>>, vector<16xf32>,
    %swap3A_117 = arith.constant 16 : index
    %swap3A_118 = tpu.vector_load %arg8[%swap3A_117] {strides = array<i32>} : memref<128xf32, #tpu.memory_space<vmem>>, vector<16xf32>,
    %swap3A_119 = vector.shape_cast %swap3A_118 : vector<16xf32> to vector<16xf32>
    %swap3A_120 = vector.shape_cast %broadcast_in_dim3A_103 : vector<16xf32> to vector<16xf32>
    tpu.vector_store %arg8[%swap3A_117], %swap3A_120 {strides = array<i32>} : memref<128xf32, #tpu.memory_space<vmem>>, vector<16xf32>,
    %swap3A_121 = arith.constant 32 : index
    %swap3A_122 = tpu.vector_load %arg7[%swap3A_121] {strides = array<i32>} : memref<128xf32, #tpu.memory_space<vmem>>, vector<16xf32>,
    %swap3A_123 = vector.shape_cast %swap3A_122 : vector<16xf32> to vector<16xf32>
    %swap3A_124 = vector.shape_cast %broadcast_in_dim3A_103 : vector<16xf32> to vector<16xf32>
    tpu.vector_store %arg7[%swap3A_121], %swap3A_124 {strides = array<i32>} : memref<128xf32, #tpu.memory_space<vmem>>, vector<16xf32>,
    %swap3A_125 = arith.constant 32 : index
    %swap3A_126 = tpu.vector_load %arg8[%swap3A_125] {strides = array<i32>} : memref<128xf32, #tpu.memory_space<vmem>>, vector<16xf32>,
    %swap3A_127 = vector.shape_cast %swap3A_126 : vector<16xf32> to vector<16xf32>
    %swap3A_128 = vector.shape_cast %broadcast_in_dim3A_103 : vector<16xf32> to vector<16xf32>
    tpu.vector_store %arg8[%swap3A_125], %swap3A_128 {strides = array<i32>} : memref<128xf32, #tpu.memory_space<vmem>>, vector<16xf32>,
    %swap3A_129 = arith.constant 48 : index
    %swap3A_130 = tpu.vector_load %arg7[%swap3A_129] {strides = array<i32>} : memref<128xf32, #tpu.memory_space<vmem>>, vector<16xf32>,
    %swap3A_131 = vector.shape_cast %swap3A_130 : vector<16xf32> to vector<16xf32>
    %swap3A_132 = vector.shape_cast %broadcast_in_dim3A_103 : vector<16xf32> to vector<16xf32>
    tpu.vector_store %arg7[%swap3A_129], %swap3A_132 {strides = array<i32>} : memref<128xf32, #tpu.memory_space<vmem>>, vector<16xf32>,
    %swap3A_133 = arith.constant 48 : index
    %swap3A_134 = tpu.vector_load %arg8[%swap3A_133] {strides = array<i32>} : memref<128xf32, #tpu.memory_space<vmem>>, vector<16xf32>,
    %swap3A_135 = vector.shape_cast %swap3A_134 : vector<16xf32> to vector<16xf32>
    %swap3A_136 = vector.shape_cast %broadcast_in_dim3A_103 : vector<16xf32> to vector<16xf32>
    tpu.vector_store %arg8[%swap3A_133], %swap3A_136 {strides = array<i32>} : memref<128xf32, #tpu.memory_space<vmem>>, vector<16xf32>,
    %swap3A_137 = arith.constant 64 : index
    %swap3A_138 = tpu.vector_load %arg7[%swap3A_137] {strides = array<i32>} : memref<128xf32, #tpu.memory_space<vmem>>, vector<16xf32>,
    %swap3A_139 = vector.shape_cast %swap3A_138 : vector<16xf32> to vector<16xf32>
    %swap3A_140 = vector.shape_cast %broadcast_in_dim3A_103 : vector<16xf32> to vector<16xf32>
    tpu.vector_store %arg7[%swap3A_137], %swap3A_140 {strides = array<i32>} : memref<128xf32, #tpu.memory_space<vmem>>, vector<16xf32>,
    %swap3A_141 = arith.constant 64 : index
    %swap3A_142 = tpu.vector_load %arg8[%swap3A_141] {strides = array<i32>} : memref<128xf32, #tpu.memory_space<vmem>>, vector<16xf32>,
    %swap3A_143 = vector.shape_cast %swap3A_142 : vector<16xf32> to vector<16xf32>
    %swap3A_144 = vector.shape_cast %broadcast_in_dim3A_105 : vector<16xf32> to vector<16xf32>
    tpu.vector_store %arg8[%swap3A_141], %swap3A_144 {strides = array<i32>} : memref<128xf32, #tpu.memory_space<vmem>>, vector<16xf32>,
    %swap3A_145 = arith.constant 80 : index
    %swap3A_146 = tpu.vector_load %arg7[%swap3A_145] {strides = array<i32>} : memref<128xf32, #tpu.memory_space<vmem>>, vector<16xf32>,
    %swap3A_147 = vector.shape_cast %swap3A_146 : vector<16xf32> to vector<16xf32>
    %swap3A_148 = vector.shape_cast %broadcast_in_dim3A_103 : vector<16xf32> to vector<16xf32>
    tpu.vector_store %arg7[%swap3A_145], %swap3A_148 {strides = array<i32>} : memref<128xf32, #tpu.memory_space<vmem>>, vector<16xf32>,
    %swap3A_149 = arith.constant 80 : index
    %swap3A_150 = tpu.vector_load %arg8[%swap3A_149] {strides = array<i32>} : memref<128xf32, #tpu.memory_space<vmem>>, vector<16xf32>,
    %swap3A_151 = vector.shape_cast %swap3A_150 : vector<16xf32> to vector<16xf32>
    %swap3A_152 = vector.shape_cast %broadcast_in_dim3A_105 : vector<16xf32> to vector<16xf32>
    tpu.vector_store %arg8[%swap3A_149], %swap3A_152 {strides = array<i32>} : memref<128xf32, #tpu.memory_space<vmem>>, vector<16xf32>,
    %swap3A_153 = arith.constant 96 : index
    %swap3A_154 = tpu.vector_load %arg7[%swap3A_153] {strides = array<i32>} : memref<128xf32, #tpu.memory_space<vmem>>, vector<16xf32>,
    %swap3A_155 = vector.shape_cast %swap3A_154 : vector<16xf32> to vector<16xf32>
    %swap3A_156 = vector.shape_cast %broadcast_in_dim3A_103 : vector<16xf32> to vector<16xf32>
    tpu.vector_store %arg7[%swap3A_153], %swap3A_156 {strides = array<i32>} : memref<128xf32, #tpu.memory_space<vmem>>, vector<16xf32>,
    %swap3A_157 = arith.constant 96 : index
    %swap3A_158 = tpu.vector_load %arg8[%swap3A_157] {strides = array<i32>} : memref<128xf32, #tpu.memory_space<vmem>>, vector<16xf32>,
    %swap3A_159 = vector.shape_cast %swap3A_158 : vector<16xf32> to vector<16xf32>
    %swap3A_160 = vector.shape_cast %broadcast_in_dim3A_105 : vector<16xf32> to vector<16xf32>
    tpu.vector_store %arg8[%swap3A_157], %swap3A_160 {strides = array<i32>} : memref<128xf32, #tpu.memory_space<vmem>>, vector<16xf32>,
    %swap3A_161 = arith.constant 112 : index
    %swap3A_162 = tpu.vector_load %arg7[%swap3A_161] {strides = array<i32>} : memref<128xf32, #tpu.memory_space<vmem>>, vector<16xf32>,
    %swap3A_163 = vector.shape_cast %swap3A_162 : vector<16xf32> to vector<16xf32>
    %swap3A_164 = vector.shape_cast %broadcast_in_dim3A_103 : vector<16xf32> to vector<16xf32>
    tpu.vector_store %arg7[%swap3A_161], %swap3A_164 {strides = array<i32>} : memref<128xf32, #tpu.memory_space<vmem>>, vector<16xf32>,
    %swap3A_165 = arith.constant 112 : index
    %swap3A_166 = tpu.vector_load %arg8[%swap3A_165] {strides = array<i32>} : memref<128xf32, #tpu.memory_space<vmem>>, vector<16xf32>,
    %swap3A_167 = vector.shape_cast %swap3A_166 : vector<16xf32> to vector<16xf32>
    %swap3A_168 = vector.shape_cast %broadcast_in_dim3A_105 : vector<16xf32> to vector<16xf32>
    tpu.vector_store %arg8[%swap3A_165], %swap3A_168 {strides = array<i32>} : memref<128xf32, #tpu.memory_space<vmem>>, vector<16xf32>,
    %scan3A_169 = arith.constant 0 : i32
    %scan3A_170 = arith.constant 0 : i32
    %scan3A_171 = arith.constant 64 : i32
    %scan3A_172 = arith.addi %scan3A_170, %scan3A_171 : i32
    %scan3A_173 = arith.constant 1 : i32
    scf.for %scan3A_429 = %scan3A_170 to %scan3A_172 step %scan3A_173  : i32 {
      %mul3A_430 = arith.constant 16 : i32
      %mul3A_431 = arith.muli %scan3A_429, %mul3A_430 : i32
      %get3A = arith.index_cast %mul3A_431 : i32 to index
      %get3A_432 = tpu.vector_load %arg4[%get3A] {strides = array<i32>} : memref<1024xi32, #tpu.memory_space<vmem>>, vector<16xi32>,
      %get3A_433 = vector.shape_cast %get3A_432 : vector<16xi32> to vector<16xi32>
      %mul3A_434 = arith.constant 16 : i32
      %mul3A_435 = arith.muli %scan3A_429, %mul3A_434 : i32
      %get3A_436 = arith.index_cast %mul3A_435 : i32 to index
      %get3A_437 = tpu.vector_load %arg5[%get3A_436] {strides = array<i32>} : memref<1024xi32, #tpu.memory_space<vmem>>, vector<16xi32>,
      %get3A_438 = vector.shape_cast %get3A_437 : vector<16xi32> to vector<16xi32>
      %eq3A_439 = arith.constant 0 : i32
      %eq3A_440 = arith.cmpi eq, %arg0, %eq3A_439 : i32
      %select_n3A = arith.select %eq3A_440, %get3A_438, %get3A_433 : vector<16xi32>
      %eq3A_441 = arith.constant 0 : i32
      %eq3A_442 = arith.cmpi eq, %arg0, %eq3A_441 : i32
      %select_n3A_443 = arith.select %eq3A_442, %get3A_433, %get3A_438 : vector<16xi32>
      %mul3A_444 = arith.constant 1024 : i32
      %mul3A_445 = vector.broadcast %mul3A_444 : i32 to vector<16xi32>
      %mul3A_446 = arith.muli %select_n3A, %mul3A_445 : vector<16xi32>
      %add3A_447 = arith.addi %mul3A_446, %select_n3A_443 : vector<16xi32>
      %jit3A = arith.constant 8 : i32
      %div3A = arith.divsi %scan3A_429, %jit3A : i32
      %sign3A = arith.constant 0 : i32
      %sign3A_448 = arith.cmpi sgt, %scan3A_429, %sign3A : i32
      %sign3A_449 = arith.extui %sign3A_448 : i1 to i32
      %sign3A_450 = arith.constant 0 : i32
      %sign3A_451 = arith.cmpi slt, %scan3A_429, %sign3A_450 : i32
      %sign3A_452 = arith.extui %sign3A_451 : i1 to i32
      %sign3A_453 = arith.subi %sign3A_449, %sign3A_452 : i32
      %sign3A_454 = arith.constant 0 : i32
      %sign3A_455 = arith.cmpi sgt, %jit3A, %sign3A_454 : i32
      %sign3A_456 = arith.extui %sign3A_455 : i1 to i32
      %sign3A_457 = arith.constant 0 : i32
      %sign3A_458 = arith.cmpi slt, %jit3A, %sign3A_457 : i32
      %sign3A_459 = arith.extui %sign3A_458 : i1 to i32
      %sign3A_460 = arith.subi %sign3A_456, %sign3A_459 : i32
      %ne3A = arith.cmpi ne, %sign3A_453, %sign3A_460 : i32
      %rem3A = arith.remsi %scan3A_429, %jit3A : i32
      %ne3A_461 = arith.constant 0 : i32
      %ne3A_462 = arith.cmpi ne, %rem3A, %ne3A_461 : i32
      %and3A = arith.andi %ne3A, %ne3A_462 : i1
      %sub3A = arith.constant 1 : i32
      %sub3A_463 = arith.subi %div3A, %sub3A : i32
      %select_n3A_464 = arith.select %and3A, %sub3A_463, %div3A : i32
      %jit3A_465 = arith.constant 8 : i32
      %eq3A_466 = arith.constant 0 : i32
      %eq3A_467 = arith.cmpi eq, %jit3A_465, %eq3A_466 : i32
      %jit3A_468 = arith.constant 1 : i32
      %select_n3A_469 = arith.select %eq3A_467, %jit3A_468, %jit3A_465 : i32
      %rem3A_470 = arith.remsi %scan3A_429, %select_n3A_469 : i32
      %ne3A_471 = arith.constant 0 : i32
      %ne3A_472 = arith.cmpi ne, %rem3A_470, %ne3A_471 : i32
      %lt3A = arith.constant 0 : i32
      %lt3A_473 = arith.cmpi slt, %rem3A_470, %lt3A : i32
      %lt3A_474 = arith.constant 0 : i32
      %lt3A_475 = arith.cmpi slt, %select_n3A_469, %lt3A_474 : i32
      %ne3A_476 = arith.xori %lt3A_473, %lt3A_475 : i1
      %and3A_477 = arith.andi %ne3A_476, %ne3A_472 : i1
      %add3A_478 = arith.addi %rem3A_470, %select_n3A_469 : i32
      %select_n3A_479 = arith.select %and3A_477, %add3A_478, %rem3A_470 : i32
      %mul3A_480 = arith.constant 16 : i32
      %mul3A_481 = arith.muli %select_n3A_479, %mul3A_480 : i32
      %swap3A_482 = arith.index_cast %select_n3A_464 : i32 to index
      %swap3A_483 = arith.index_cast %mul3A_481 : i32 to index
      %swap3A_484 = tpu.vector_load %arg6[%swap3A_482, %swap3A_483] {strides = array<i32>} : memref<9x128xi32, #tpu.memory_space<vmem>>, vector<1x16xi32>,
      %swap3A_485 = vector.shape_cast %swap3A_484 : vector<1x16xi32> to vector<16xi32>
      %swap3A_486 = vector.shape_cast %add3A_447 : vector<16xi32> to vector<1x16xi32>
      tpu.vector_store %arg6[%swap3A_482, %swap3A_483], %swap3A_486 {strides = array<i32>} : memref<9x128xi32, #tpu.memory_space<vmem>>, vector<1x16xi32>,
    }
    %scan3A_174 = arith.constant 64 : i32
    %iota3A = tpu.iota {dimensions = array<i32: 0>} : vector<16xi32>
    %mul3A_175 = arith.constant 64 : i32
    %mul3A_176 = arith.muli %arg1, %mul3A_175 : i32
    %add3A_177 = arith.constant 0 : i32
    %add3A_178 = arith.addi %mul3A_176, %add3A_177 : i32
    %add3A_179 = vector.broadcast %add3A_178 : i32 to vector<16xi32>
    %add3A_180 = arith.addi %add3A_179, %iota3A : vector<16xi32>
    %mul3A_181 = arith.constant 1025 : i32
    %mul3A_182 = vector.broadcast %mul3A_181 : i32 to vector<16xi32>
    %mul3A_183 = arith.muli %add3A_180, %mul3A_182 : vector<16xi32>
    %swap3A_184 = arith.constant 8 : i32
    %swap3A_185 = arith.index_cast %swap3A_184 : i32 to index
    %swap3A_186 = arith.constant 0 : index
    %swap3A_187 = tpu.vector_load %arg6[%swap3A_185, %swap3A_186] {strides = array<i32>} : memref<9x128xi32, #tpu.memory_space<vmem>>, vector<1x16xi32>,
    %swap3A_188 = vector.shape_cast %swap3A_187 : vector<1x16xi32> to vector<16xi32>
    %swap3A_189 = vector.shape_cast %mul3A_183 : vector<16xi32> to vector<1x16xi32>
    tpu.vector_store %arg6[%swap3A_185, %swap3A_186], %swap3A_189 {strides = array<i32>} : memref<9x128xi32, #tpu.memory_space<vmem>>, vector<1x16xi32>,
    %mul3A_190 = arith.constant 64 : i32
    %mul3A_191 = arith.muli %arg1, %mul3A_190 : i32
    %add3A_192 = arith.constant 16 : i32
    %add3A_193 = arith.addi %mul3A_191, %add3A_192 : i32
    %add3A_194 = vector.broadcast %add3A_193 : i32 to vector<16xi32>
    %add3A_195 = arith.addi %add3A_194, %iota3A : vector<16xi32>
    %mul3A_196 = arith.constant 1025 : i32
    %mul3A_197 = vector.broadcast %mul3A_196 : i32 to vector<16xi32>
    %mul3A_198 = arith.muli %add3A_195, %mul3A_197 : vector<16xi32>
    %swap3A_199 = arith.constant 8 : i32
    %swap3A_200 = arith.index_cast %swap3A_199 : i32 to index
    %swap3A_201 = arith.constant 16 : index
    %swap3A_202 = tpu.vector_load %arg6[%swap3A_200, %swap3A_201] {strides = array<i32>} : memref<9x128xi32, #tpu.memory_space<vmem>>, vector<1x16xi32>,
    %swap3A_203 = vector.shape_cast %swap3A_202 : vector<1x16xi32> to vector<16xi32>
    %swap3A_204 = vector.shape_cast %mul3A_198 : vector<16xi32> to vector<1x16xi32>
    tpu.vector_store %arg6[%swap3A_200, %swap3A_201], %swap3A_204 {strides = array<i32>} : memref<9x128xi32, #tpu.memory_space<vmem>>, vector<1x16xi32>,
    %mul3A_205 = arith.constant 64 : i32
    %mul3A_206 = arith.muli %arg1, %mul3A_205 : i32
    %add3A_207 = arith.constant 32 : i32
    %add3A_208 = arith.addi %mul3A_206, %add3A_207 : i32
    %add3A_209 = vector.broadcast %add3A_208 : i32 to vector<16xi32>
    %add3A_210 = arith.addi %add3A_209, %iota3A : vector<16xi32>
    %mul3A_211 = arith.constant 1025 : i32
    %mul3A_212 = vector.broadcast %mul3A_211 : i32 to vector<16xi32>
    %mul3A_213 = arith.muli %add3A_210, %mul3A_212 : vector<16xi32>
    %swap3A_214 = arith.constant 8 : i32
    %swap3A_215 = arith.index_cast %swap3A_214 : i32 to index
    %swap3A_216 = arith.constant 32 : index
    %swap3A_217 = tpu.vector_load %arg6[%swap3A_215, %swap3A_216] {strides = array<i32>} : memref<9x128xi32, #tpu.memory_space<vmem>>, vector<1x16xi32>,
    %swap3A_218 = vector.shape_cast %swap3A_217 : vector<1x16xi32> to vector<16xi32>
    %swap3A_219 = vector.shape_cast %mul3A_213 : vector<16xi32> to vector<1x16xi32>
    tpu.vector_store %arg6[%swap3A_215, %swap3A_216], %swap3A_219 {strides = array<i32>} : memref<9x128xi32, #tpu.memory_space<vmem>>, vector<1x16xi32>,
    %mul3A_220 = arith.constant 64 : i32
    %mul3A_221 = arith.muli %arg1, %mul3A_220 : i32
    %add3A_222 = arith.constant 48 : i32
    %add3A_223 = arith.addi %mul3A_221, %add3A_222 : i32
    %add3A_224 = vector.broadcast %add3A_223 : i32 to vector<16xi32>
    %add3A_225 = arith.addi %add3A_224, %iota3A : vector<16xi32>
    %mul3A_226 = arith.constant 1025 : i32
    %mul3A_227 = vector.broadcast %mul3A_226 : i32 to vector<16xi32>
    %mul3A_228 = arith.muli %add3A_225, %mul3A_227 : vector<16xi32>
    %swap3A_229 = arith.constant 8 : i32
    %swap3A_230 = arith.index_cast %swap3A_229 : i32 to index
    %swap3A_231 = arith.constant 48 : index
    %swap3A_232 = tpu.vector_load %arg6[%swap3A_230, %swap3A_231] {strides = array<i32>} : memref<9x128xi32, #tpu.memory_space<vmem>>, vector<1x16xi32>,
    %swap3A_233 = vector.shape_cast %swap3A_232 : vector<1x16xi32> to vector<16xi32>
    %swap3A_234 = vector.shape_cast %mul3A_228 : vector<16xi32> to vector<1x16xi32>
    tpu.vector_store %arg6[%swap3A_230, %swap3A_231], %swap3A_234 {strides = array<i32>} : memref<9x128xi32, #tpu.memory_space<vmem>>, vector<1x16xi32>,
    %mul3A_235 = arith.constant 64 : i32
    %mul3A_236 = arith.muli %arg1, %mul3A_235 : i32
    %add3A_237 = arith.constant 0 : i32
    %add3A_238 = arith.addi %mul3A_236, %add3A_237 : i32
    %add3A_239 = vector.broadcast %add3A_238 : i32 to vector<16xi32>
    %add3A_240 = arith.addi %add3A_239, %iota3A : vector<16xi32>
    %mul3A_241 = arith.constant 1025 : i32
    %mul3A_242 = vector.broadcast %mul3A_241 : i32 to vector<16xi32>
    %mul3A_243 = arith.muli %add3A_240, %mul3A_242 : vector<16xi32>
    %swap3A_244 = arith.constant 8 : i32
    %swap3A_245 = arith.index_cast %swap3A_244 : i32 to index
    %swap3A_246 = arith.constant 64 : index
    %swap3A_247 = tpu.vector_load %arg6[%swap3A_245, %swap3A_246] {strides = array<i32>} : memref<9x128xi32, #tpu.memory_space<vmem>>, vector<1x16xi32>,
    %swap3A_248 = vector.shape_cast %swap3A_247 : vector<1x16xi32> to vector<16xi32>
    %swap3A_249 = vector.shape_cast %mul3A_243 : vector<16xi32> to vector<1x16xi32>
    tpu.vector_store %arg6[%swap3A_245, %swap3A_246], %swap3A_249 {strides = array<i32>} : memref<9x128xi32, #tpu.memory_space<vmem>>, vector<1x16xi32>,
    %mul3A_250 = arith.constant 64 : i32
    %mul3A_251 = arith.muli %arg1, %mul3A_250 : i32
    %add3A_252 = arith.constant 16 : i32
    %add3A_253 = arith.addi %mul3A_251, %add3A_252 : i32
    %add3A_254 = vector.broadcast %add3A_253 : i32 to vector<16xi32>
    %add3A_255 = arith.addi %add3A_254, %iota3A : vector<16xi32>
    %mul3A_256 = arith.constant 1025 : i32
    %mul3A_257 = vector.broadcast %mul3A_256 : i32 to vector<16xi32>
    %mul3A_258 = arith.muli %add3A_255, %mul3A_257 : vector<16xi32>
    %swap3A_259 = arith.constant 8 : i32
    %swap3A_260 = arith.index_cast %swap3A_259 : i32 to index
    %swap3A_261 = arith.constant 80 : index
    %swap3A_262 = tpu.vector_load %arg6[%swap3A_260, %swap3A_261] {strides = array<i32>} : memref<9x128xi32, #tpu.memory_space<vmem>>, vector<1x16xi32>,
    %swap3A_263 = vector.shape_cast %swap3A_262 : vector<1x16xi32> to vector<16xi32>
    %swap3A_264 = vector.shape_cast %mul3A_258 : vector<16xi32> to vector<1x16xi32>
    tpu.vector_store %arg6[%swap3A_260, %swap3A_261], %swap3A_264 {strides = array<i32>} : memref<9x128xi32, #tpu.memory_space<vmem>>, vector<1x16xi32>,
    %mul3A_265 = arith.constant 64 : i32
    %mul3A_266 = arith.muli %arg1, %mul3A_265 : i32
    %add3A_267 = arith.constant 32 : i32
    %add3A_268 = arith.addi %mul3A_266, %add3A_267 : i32
    %add3A_269 = vector.broadcast %add3A_268 : i32 to vector<16xi32>
    %add3A_270 = arith.addi %add3A_269, %iota3A : vector<16xi32>
    %mul3A_271 = arith.constant 1025 : i32
    %mul3A_272 = vector.broadcast %mul3A_271 : i32 to vector<16xi32>
    %mul3A_273 = arith.muli %add3A_270, %mul3A_272 : vector<16xi32>
    %swap3A_274 = arith.constant 8 : i32
    %swap3A_275 = arith.index_cast %swap3A_274 : i32 to index
    %swap3A_276 = arith.constant 96 : index
    %swap3A_277 = tpu.vector_load %arg6[%swap3A_275, %swap3A_276] {strides = array<i32>} : memref<9x128xi32, #tpu.memory_space<vmem>>, vector<1x16xi32>,
    %swap3A_278 = vector.shape_cast %swap3A_277 : vector<1x16xi32> to vector<16xi32>
    %swap3A_279 = vector.shape_cast %mul3A_273 : vector<16xi32> to vector<1x16xi32>
    tpu.vector_store %arg6[%swap3A_275, %swap3A_276], %swap3A_279 {strides = array<i32>} : memref<9x128xi32, #tpu.memory_space<vmem>>, vector<1x16xi32>,
    %mul3A_280 = arith.constant 64 : i32
    %mul3A_281 = arith.muli %arg1, %mul3A_280 : i32
    %add3A_282 = arith.constant 48 : i32
    %add3A_283 = arith.addi %mul3A_281, %add3A_282 : i32
    %add3A_284 = vector.broadcast %add3A_283 : i32 to vector<16xi32>
    %add3A_285 = arith.addi %add3A_284, %iota3A : vector<16xi32>
    %mul3A_286 = arith.constant 1025 : i32
    %mul3A_287 = vector.broadcast %mul3A_286 : i32 to vector<16xi32>
    %mul3A_288 = arith.muli %add3A_285, %mul3A_287 : vector<16xi32>
    %swap3A_289 = arith.constant 8 : i32
    %swap3A_290 = arith.index_cast %swap3A_289 : i32 to index
    %swap3A_291 = arith.constant 112 : index
    %swap3A_292 = tpu.vector_load %arg6[%swap3A_290, %swap3A_291] {strides = array<i32>} : memref<9x128xi32, #tpu.memory_space<vmem>>, vector<1x16xi32>,
    %swap3A_293 = vector.shape_cast %swap3A_292 : vector<1x16xi32> to vector<16xi32>
    %swap3A_294 = vector.shape_cast %mul3A_288 : vector<16xi32> to vector<1x16xi32>
    tpu.vector_store %arg6[%swap3A_290, %swap3A_291], %swap3A_294 {strides = array<i32>} : memref<9x128xi32, #tpu.memory_space<vmem>>, vector<1x16xi32>,
    %dma_wait3A = tpu.memref_slice %arg10[%add3A_7] : memref<1048576xf32, #tpu.memory_space<vmem_shared>> -> memref<4096xf32, #tpu.memory_space<vmem_shared>>
    %dma_wait3A_295 = tpu.memref_slice %arg10[%add3A_7] : memref<1048576xf32, #tpu.memory_space<vmem_shared>> -> memref<4096xf32, #tpu.memory_space<vmem_shared>>
    tpu.wait_dma2 semaphore(%arg11 : memref<!tpu.dma_semaphore, #tpu.memory_space<semaphore_mem>>) src(%arg9 : memref<4096xf32, #tpu.memory_space<vmem>>) dst(%dma_wait3A_295 : memref<4096xf32, #tpu.memory_space<vmem_shared>>)
    %dma_wait3A_296 = tpu.memref_slice %arg10[%add3A_12] : memref<1048576xf32, #tpu.memory_space<vmem_shared>> -> memref<4096xf32, #tpu.memory_space<vmem_shared>>
    %dma_wait3A_297 = tpu.memref_slice %arg10[%add3A_12] : memref<1048576xf32, #tpu.memory_space<vmem_shared>> -> memref<4096xf32, #tpu.memory_space<vmem_shared>>
    tpu.wait_dma2 semaphore(%arg11 : memref<!tpu.dma_semaphore, #tpu.memory_space<semaphore_mem>>) src(%arg9 : memref<4096xf32, #tpu.memory_space<vmem>>) dst(%dma_wait3A_297 : memref<4096xf32, #tpu.memory_space<vmem_shared>>)
    %dma_wait3A_298 = tpu.memref_slice %arg10[%add3A_18] : memref<1048576xf32, #tpu.memory_space<vmem_shared>> -> memref<4096xf32, #tpu.memory_space<vmem_shared>>
    %dma_wait3A_299 = tpu.memref_slice %arg10[%add3A_18] : memref<1048576xf32, #tpu.memory_space<vmem_shared>> -> memref<4096xf32, #tpu.memory_space<vmem_shared>>
    tpu.wait_dma2 semaphore(%arg11 : memref<!tpu.dma_semaphore, #tpu.memory_space<semaphore_mem>>) src(%arg9 : memref<4096xf32, #tpu.memory_space<vmem>>) dst(%dma_wait3A_299 : memref<4096xf32, #tpu.memory_space<vmem_shared>>)
    %dma_wait3A_300 = tpu.memref_slice %arg10[%add3A_24] : memref<1048576xf32, #tpu.memory_space<vmem_shared>> -> memref<4096xf32, #tpu.memory_space<vmem_shared>>
    %dma_wait3A_301 = tpu.memref_slice %arg10[%add3A_24] : memref<1048576xf32, #tpu.memory_space<vmem_shared>> -> memref<4096xf32, #tpu.memory_space<vmem_shared>>
    tpu.wait_dma2 semaphore(%arg11 : memref<!tpu.dma_semaphore, #tpu.memory_space<semaphore_mem>>) src(%arg9 : memref<4096xf32, #tpu.memory_space<vmem>>) dst(%dma_wait3A_301 : memref<4096xf32, #tpu.memory_space<vmem_shared>>)
    %dma_wait3A_302 = tpu.memref_slice %arg10[%add3A_30] : memref<1048576xf32, #tpu.memory_space<vmem_shared>> -> memref<4096xf32, #tpu.memory_space<vmem_shared>>
    %dma_wait3A_303 = tpu.memref_slice %arg10[%add3A_30] : memref<1048576xf32, #tpu.memory_space<vmem_shared>> -> memref<4096xf32, #tpu.memory_space<vmem_shared>>
    tpu.wait_dma2 semaphore(%arg11 : memref<!tpu.dma_semaphore, #tpu.memory_space<semaphore_mem>>) src(%arg9 : memref<4096xf32, #tpu.memory_space<vmem>>) dst(%dma_wait3A_303 : memref<4096xf32, #tpu.memory_space<vmem_shared>>)
    %dma_wait3A_304 = tpu.memref_slice %arg10[%add3A_36] : memref<1048576xf32, #tpu.memory_space<vmem_shared>> -> memref<4096xf32, #tpu.memory_space<vmem_shared>>
    %dma_wait3A_305 = tpu.memref_slice %arg10[%add3A_36] : memref<1048576xf32, #tpu.memory_space<vmem_shared>> -> memref<4096xf32, #tpu.memory_space<vmem_shared>>
    tpu.wait_dma2 semaphore(%arg11 : memref<!tpu.dma_semaphore, #tpu.memory_space<semaphore_mem>>) src(%arg9 : memref<4096xf32, #tpu.memory_space<vmem>>) dst(%dma_wait3A_305 : memref<4096xf32, #tpu.memory_space<vmem_shared>>)
    %dma_wait3A_306 = tpu.memref_slice %arg10[%add3A_42] : memref<1048576xf32, #tpu.memory_space<vmem_shared>> -> memref<4096xf32, #tpu.memory_space<vmem_shared>>
    %dma_wait3A_307 = tpu.memref_slice %arg10[%add3A_42] : memref<1048576xf32, #tpu.memory_space<vmem_shared>> -> memref<4096xf32, #tpu.memory_space<vmem_shared>>
    tpu.wait_dma2 semaphore(%arg11 : memref<!tpu.dma_semaphore, #tpu.memory_space<semaphore_mem>>) src(%arg9 : memref<4096xf32, #tpu.memory_space<vmem>>) dst(%dma_wait3A_307 : memref<4096xf32, #tpu.memory_space<vmem_shared>>)
    %dma_wait3A_308 = tpu.memref_slice %arg10[%add3A_48] : memref<1048576xf32, #tpu.memory_space<vmem_shared>> -> memref<4096xf32, #tpu.memory_space<vmem_shared>>
    %dma_wait3A_309 = tpu.memref_slice %arg10[%add3A_48] : memref<1048576xf32, #tpu.memory_space<vmem_shared>> -> memref<4096xf32, #tpu.memory_space<vmem_shared>>
    tpu.wait_dma2 semaphore(%arg11 : memref<!tpu.dma_semaphore, #tpu.memory_space<semaphore_mem>>) src(%arg9 : memref<4096xf32, #tpu.memory_space<vmem>>) dst(%dma_wait3A_309 : memref<4096xf32, #tpu.memory_space<vmem_shared>>)
    %dma_wait3A_310 = tpu.memref_slice %arg10[%add3A_54] : memref<1048576xf32, #tpu.memory_space<vmem_shared>> -> memref<4096xf32, #tpu.memory_space<vmem_shared>>
    %dma_wait3A_311 = tpu.memref_slice %arg10[%add3A_54] : memref<1048576xf32, #tpu.memory_space<vmem_shared>> -> memref<4096xf32, #tpu.memory_space<vmem_shared>>
    tpu.wait_dma2 semaphore(%arg11 : memref<!tpu.dma_semaphore, #tpu.memory_space<semaphore_mem>>) src(%arg9 : memref<4096xf32, #tpu.memory_space<vmem>>) dst(%dma_wait3A_311 : memref<4096xf32, #tpu.memory_space<vmem_shared>>)
    %dma_wait3A_312 = tpu.memref_slice %arg10[%add3A_60] : memref<1048576xf32, #tpu.memory_space<vmem_shared>> -> memref<4096xf32, #tpu.memory_space<vmem_shared>>
    %dma_wait3A_313 = tpu.memref_slice %arg10[%add3A_60] : memref<1048576xf32, #tpu.memory_space<vmem_shared>> -> memref<4096xf32, #tpu.memory_space<vmem_shared>>
    tpu.wait_dma2 semaphore(%arg11 : memref<!tpu.dma_semaphore, #tpu.memory_space<semaphore_mem>>) src(%arg9 : memref<4096xf32, #tpu.memory_space<vmem>>) dst(%dma_wait3A_313 : memref<4096xf32, #tpu.memory_space<vmem_shared>>)
    %dma_wait3A_314 = tpu.memref_slice %arg10[%add3A_66] : memref<1048576xf32, #tpu.memory_space<vmem_shared>> -> memref<4096xf32, #tpu.memory_space<vmem_shared>>
    %dma_wait3A_315 = tpu.memref_slice %arg10[%add3A_66] : memref<1048576xf32, #tpu.memory_space<vmem_shared>> -> memref<4096xf32, #tpu.memory_space<vmem_shared>>
    tpu.wait_dma2 semaphore(%arg11 : memref<!tpu.dma_semaphore, #tpu.memory_space<semaphore_mem>>) src(%arg9 : memref<4096xf32, #tpu.memory_space<vmem>>) dst(%dma_wait3A_315 : memref<4096xf32, #tpu.memory_space<vmem_shared>>)
    %dma_wait3A_316 = tpu.memref_slice %arg10[%add3A_72] : memref<1048576xf32, #tpu.memory_space<vmem_shared>> -> memref<4096xf32, #tpu.memory_space<vmem_shared>>
    %dma_wait3A_317 = tpu.memref_slice %arg10[%add3A_72] : memref<1048576xf32, #tpu.memory_space<vmem_shared>> -> memref<4096xf32, #tpu.memory_space<vmem_shared>>
    tpu.wait_dma2 semaphore(%arg11 : memref<!tpu.dma_semaphore, #tpu.memory_space<semaphore_mem>>) src(%arg9 : memref<4096xf32, #tpu.memory_space<vmem>>) dst(%dma_wait3A_317 : memref<4096xf32, #tpu.memory_space<vmem_shared>>)
    %dma_wait3A_318 = tpu.memref_slice %arg10[%add3A_78] : memref<1048576xf32, #tpu.memory_space<vmem_shared>> -> memref<4096xf32, #tpu.memory_space<vmem_shared>>
    %dma_wait3A_319 = tpu.memref_slice %arg10[%add3A_78] : memref<1048576xf32, #tpu.memory_space<vmem_shared>> -> memref<4096xf32, #tpu.memory_space<vmem_shared>>
    tpu.wait_dma2 semaphore(%arg11 : memref<!tpu.dma_semaphore, #tpu.memory_space<semaphore_mem>>) src(%arg9 : memref<4096xf32, #tpu.memory_space<vmem>>) dst(%dma_wait3A_319 : memref<4096xf32, #tpu.memory_space<vmem_shared>>)
    %dma_wait3A_320 = tpu.memref_slice %arg10[%add3A_84] : memref<1048576xf32, #tpu.memory_space<vmem_shared>> -> memref<4096xf32, #tpu.memory_space<vmem_shared>>
    %dma_wait3A_321 = tpu.memref_slice %arg10[%add3A_84] : memref<1048576xf32, #tpu.memory_space<vmem_shared>> -> memref<4096xf32, #tpu.memory_space<vmem_shared>>
    tpu.wait_dma2 semaphore(%arg11 : memref<!tpu.dma_semaphore, #tpu.memory_space<semaphore_mem>>) src(%arg9 : memref<4096xf32, #tpu.memory_space<vmem>>) dst(%dma_wait3A_321 : memref<4096xf32, #tpu.memory_space<vmem_shared>>)
    %dma_wait3A_322 = tpu.memref_slice %arg10[%add3A_90] : memref<1048576xf32, #tpu.memory_space<vmem_shared>> -> memref<4096xf32, #tpu.memory_space<vmem_shared>>
    %dma_wait3A_323 = tpu.memref_slice %arg10[%add3A_90] : memref<1048576xf32, #tpu.memory_space<vmem_shared>> -> memref<4096xf32, #tpu.memory_space<vmem_shared>>
    tpu.wait_dma2 semaphore(%arg11 : memref<!tpu.dma_semaphore, #tpu.memory_space<semaphore_mem>>) src(%arg9 : memref<4096xf32, #tpu.memory_space<vmem>>) dst(%dma_wait3A_323 : memref<4096xf32, #tpu.memory_space<vmem_shared>>)
    %dma_wait3A_324 = tpu.memref_slice %arg10[%add3A_96] : memref<1048576xf32, #tpu.memory_space<vmem_shared>> -> memref<4096xf32, #tpu.memory_space<vmem_shared>>
    %dma_wait3A_325 = tpu.memref_slice %arg10[%add3A_96] : memref<1048576xf32, #tpu.memory_space<vmem_shared>> -> memref<4096xf32, #tpu.memory_space<vmem_shared>>
    tpu.wait_dma2 semaphore(%arg11 : memref<!tpu.dma_semaphore, #tpu.memory_space<semaphore_mem>>) src(%arg9 : memref<4096xf32, #tpu.memory_space<vmem>>) dst(%dma_wait3A_325 : memref<4096xf32, #tpu.memory_space<vmem_shared>>)
    %barrier3A = arith.constant 0 : index
    tpu.barrier barrier_id(%barrier3A)
    %dma_start3A_326 = arith.constant 0 : i32
    %dma_start3A_327 = arith.constant 0 : i32
    %dma_start3A_328 = tpu.memref_slice %arg6[%dma_start3A_326, %dma_start3A_327] : memref<9x128xi32, #tpu.memory_space<vmem>> -> memref<1x128xi32, #tpu.memory_space<vmem>>
    %dma_start3A_329 = tpu.memref_squeeze %dma_start3A_328 : memref<1x128xi32, #tpu.memory_space<vmem>> -> memref<128xi32, #tpu.memory_space<vmem>>
    %dma_start3A_330 = arith.constant 0 : i32
    %dma_start3A_331 = tpu.memref_slice %arg10[%dma_start3A_330] : memref<1048576xf32, #tpu.memory_space<vmem_shared>> -> memref<1048576xf32, #tpu.memory_space<vmem_shared>>
    tpu.enqueue_indirect_dma source(%arg7 : memref<128xf32, #tpu.memory_space<vmem>>) target(%dma_start3A_331 : memref<1048576xf32, #tpu.memory_space<vmem_shared>>) offsets(%dma_start3A_329 : memref<128xi32, #tpu.memory_space<vmem>>) semaphore(%arg12 : memref<!tpu.dma_semaphore, #tpu.memory_space<semaphore_mem>>) {add = true}
    %dma_start3A_332 = arith.constant 1 : i32
    %dma_start3A_333 = arith.constant 0 : i32
    %dma_start3A_334 = tpu.memref_slice %arg6[%dma_start3A_332, %dma_start3A_333] : memref<9x128xi32, #tpu.memory_space<vmem>> -> memref<1x128xi32, #tpu.memory_space<vmem>>
    %dma_start3A_335 = tpu.memref_squeeze %dma_start3A_334 : memref<1x128xi32, #tpu.memory_space<vmem>> -> memref<128xi32, #tpu.memory_space<vmem>>
    %dma_start3A_336 = arith.constant 0 : i32
    %dma_start3A_337 = tpu.memref_slice %arg10[%dma_start3A_336] : memref<1048576xf32, #tpu.memory_space<vmem_shared>> -> memref<1048576xf32, #tpu.memory_space<vmem_shared>>
    tpu.enqueue_indirect_dma source(%arg7 : memref<128xf32, #tpu.memory_space<vmem>>) target(%dma_start3A_337 : memref<1048576xf32, #tpu.memory_space<vmem_shared>>) offsets(%dma_start3A_335 : memref<128xi32, #tpu.memory_space<vmem>>) semaphore(%arg12 : memref<!tpu.dma_semaphore, #tpu.memory_space<semaphore_mem>>) {add = true}
    %dma_start3A_338 = arith.constant 2 : i32
    %dma_start3A_339 = arith.constant 0 : i32
    %dma_start3A_340 = tpu.memref_slice %arg6[%dma_start3A_338, %dma_start3A_339] : memref<9x128xi32, #tpu.memory_space<vmem>> -> memref<1x128xi32, #tpu.memory_space<vmem>>
    %dma_start3A_341 = tpu.memref_squeeze %dma_start3A_340 : memref<1x128xi32, #tpu.memory_space<vmem>> -> memref<128xi32, #tpu.memory_space<vmem>>
    %dma_start3A_342 = arith.constant 0 : i32
    %dma_start3A_343 = tpu.memref_slice %arg10[%dma_start3A_342] : memref<1048576xf32, #tpu.memory_space<vmem_shared>> -> memref<1048576xf32, #tpu.memory_space<vmem_shared>>
    tpu.enqueue_indirect_dma source(%arg7 : memref<128xf32, #tpu.memory_space<vmem>>) target(%dma_start3A_343 : memref<1048576xf32, #tpu.memory_space<vmem_shared>>) offsets(%dma_start3A_341 : memref<128xi32, #tpu.memory_space<vmem>>) semaphore(%arg12 : memref<!tpu.dma_semaphore, #tpu.memory_space<semaphore_mem>>) {add = true}
    %dma_start3A_344 = arith.constant 3 : i32
    %dma_start3A_345 = arith.constant 0 : i32
    %dma_start3A_346 = tpu.memref_slice %arg6[%dma_start3A_344, %dma_start3A_345] : memref<9x128xi32, #tpu.memory_space<vmem>> -> memref<1x128xi32, #tpu.memory_space<vmem>>
    %dma_start3A_347 = tpu.memref_squeeze %dma_start3A_346 : memref<1x128xi32, #tpu.memory_space<vmem>> -> memref<128xi32, #tpu.memory_space<vmem>>
    %dma_start3A_348 = arith.constant 0 : i32
    %dma_start3A_349 = tpu.memref_slice %arg10[%dma_start3A_348] : memref<1048576xf32, #tpu.memory_space<vmem_shared>> -> memref<1048576xf32, #tpu.memory_space<vmem_shared>>
    tpu.enqueue_indirect_dma source(%arg7 : memref<128xf32, #tpu.memory_space<vmem>>) target(%dma_start3A_349 : memref<1048576xf32, #tpu.memory_space<vmem_shared>>) offsets(%dma_start3A_347 : memref<128xi32, #tpu.memory_space<vmem>>) semaphore(%arg12 : memref<!tpu.dma_semaphore, #tpu.memory_space<semaphore_mem>>) {add = true}
    %dma_start3A_350 = arith.constant 4 : i32
    %dma_start3A_351 = arith.constant 0 : i32
    %dma_start3A_352 = tpu.memref_slice %arg6[%dma_start3A_350, %dma_start3A_351] : memref<9x128xi32, #tpu.memory_space<vmem>> -> memref<1x128xi32, #tpu.memory_space<vmem>>
    %dma_start3A_353 = tpu.memref_squeeze %dma_start3A_352 : memref<1x128xi32, #tpu.memory_space<vmem>> -> memref<128xi32, #tpu.memory_space<vmem>>
    %dma_start3A_354 = arith.constant 0 : i32
    %dma_start3A_355 = tpu.memref_slice %arg10[%dma_start3A_354] : memref<1048576xf32, #tpu.memory_space<vmem_shared>> -> memref<1048576xf32, #tpu.memory_space<vmem_shared>>
    tpu.enqueue_indirect_dma source(%arg7 : memref<128xf32, #tpu.memory_space<vmem>>) target(%dma_start3A_355 : memref<1048576xf32, #tpu.memory_space<vmem_shared>>) offsets(%dma_start3A_353 : memref<128xi32, #tpu.memory_space<vmem>>) semaphore(%arg12 : memref<!tpu.dma_semaphore, #tpu.memory_space<semaphore_mem>>) {add = true}
    %dma_start3A_356 = arith.constant 5 : i32
    %dma_start3A_357 = arith.constant 0 : i32
    %dma_start3A_358 = tpu.memref_slice %arg6[%dma_start3A_356, %dma_start3A_357] : memref<9x128xi32, #tpu.memory_space<vmem>> -> memref<1x128xi32, #tpu.memory_space<vmem>>
    %dma_start3A_359 = tpu.memref_squeeze %dma_start3A_358 : memref<1x128xi32, #tpu.memory_space<vmem>> -> memref<128xi32, #tpu.memory_space<vmem>>
    %dma_start3A_360 = arith.constant 0 : i32
    %dma_start3A_361 = tpu.memref_slice %arg10[%dma_start3A_360] : memref<1048576xf32, #tpu.memory_space<vmem_shared>> -> memref<1048576xf32, #tpu.memory_space<vmem_shared>>
    tpu.enqueue_indirect_dma source(%arg7 : memref<128xf32, #tpu.memory_space<vmem>>) target(%dma_start3A_361 : memref<1048576xf32, #tpu.memory_space<vmem_shared>>) offsets(%dma_start3A_359 : memref<128xi32, #tpu.memory_space<vmem>>) semaphore(%arg12 : memref<!tpu.dma_semaphore, #tpu.memory_space<semaphore_mem>>) {add = true}
    %dma_start3A_362 = arith.constant 6 : i32
    %dma_start3A_363 = arith.constant 0 : i32
    %dma_start3A_364 = tpu.memref_slice %arg6[%dma_start3A_362, %dma_start3A_363] : memref<9x128xi32, #tpu.memory_space<vmem>> -> memref<1x128xi32, #tpu.memory_space<vmem>>
    %dma_start3A_365 = tpu.memref_squeeze %dma_start3A_364 : memref<1x128xi32, #tpu.memory_space<vmem>> -> memref<128xi32, #tpu.memory_space<vmem>>
    %dma_start3A_366 = arith.constant 0 : i32
    %dma_start3A_367 = tpu.memref_slice %arg10[%dma_start3A_366] : memref<1048576xf32, #tpu.memory_space<vmem_shared>> -> memref<1048576xf32, #tpu.memory_space<vmem_shared>>
    tpu.enqueue_indirect_dma source(%arg7 : memref<128xf32, #tpu.memory_space<vmem>>) target(%dma_start3A_367 : memref<1048576xf32, #tpu.memory_space<vmem_shared>>) offsets(%dma_start3A_365 : memref<128xi32, #tpu.memory_space<vmem>>) semaphore(%arg12 : memref<!tpu.dma_semaphore, #tpu.memory_space<semaphore_mem>>) {add = true}
    %dma_start3A_368 = arith.constant 7 : i32
    %dma_start3A_369 = arith.constant 0 : i32
    %dma_start3A_370 = tpu.memref_slice %arg6[%dma_start3A_368, %dma_start3A_369] : memref<9x128xi32, #tpu.memory_space<vmem>> -> memref<1x128xi32, #tpu.memory_space<vmem>>
    %dma_start3A_371 = tpu.memref_squeeze %dma_start3A_370 : memref<1x128xi32, #tpu.memory_space<vmem>> -> memref<128xi32, #tpu.memory_space<vmem>>
    %dma_start3A_372 = arith.constant 0 : i32
    %dma_start3A_373 = tpu.memref_slice %arg10[%dma_start3A_372] : memref<1048576xf32, #tpu.memory_space<vmem_shared>> -> memref<1048576xf32, #tpu.memory_space<vmem_shared>>
    tpu.enqueue_indirect_dma source(%arg7 : memref<128xf32, #tpu.memory_space<vmem>>) target(%dma_start3A_373 : memref<1048576xf32, #tpu.memory_space<vmem_shared>>) offsets(%dma_start3A_371 : memref<128xi32, #tpu.memory_space<vmem>>) semaphore(%arg12 : memref<!tpu.dma_semaphore, #tpu.memory_space<semaphore_mem>>) {add = true}
    %eq3A = arith.constant 1 : i32
    %eq3A_374 = arith.cmpi eq, %arg0, %eq3A : i32
    %convert_element_type3A = arith.extui %eq3A_374 : i1 to i32
    %cond3A = arith.constant 0 : i32
    %cond3A_375 = arith.cmpi ne, %convert_element_type3A, %cond3A : i32
    scf.if %cond3A_375 {
      %run_scoped3A_429 = arith.constant 8 : i32
      "tpu.region"() ({
        %run_scoped3A_430 = tpu.sem_alloc : memref<!tpu.dma_semaphore, #tpu.memory_space<semaphore_mem>>
        %dma_start3A_431 = arith.constant 0 : i32
        %dma_start3A_432 = tpu.memref_slice %arg6[%run_scoped3A_429, %dma_start3A_431] : memref<9x128xi32, #tpu.memory_space<vmem>> -> memref<1x128xi32, #tpu.memory_space<vmem>>
        %dma_start3A_433 = tpu.memref_squeeze %dma_start3A_432 : memref<1x128xi32, #tpu.memory_space<vmem>> -> memref<128xi32, #tpu.memory_space<vmem>>
        %dma_start3A_434 = arith.constant 0 : i32
        %dma_start3A_435 = tpu.memref_slice %arg10[%dma_start3A_434] : memref<1048576xf32, #tpu.memory_space<vmem_shared>> -> memref<1048576xf32, #tpu.memory_space<vmem_shared>>
        tpu.enqueue_indirect_dma source(%arg8 : memref<128xf32, #tpu.memory_space<vmem>>) target(%dma_start3A_435 : memref<1048576xf32, #tpu.memory_space<vmem_shared>>) offsets(%dma_start3A_433 : memref<128xi32, #tpu.memory_space<vmem>>) semaphore(%run_scoped3A_430 : memref<!tpu.dma_semaphore, #tpu.memory_space<semaphore_mem>>) {add = true}
        %dma_wait3A_436 = arith.constant 0 : i32
        %dma_wait3A_437 = tpu.memref_slice %arg6[%run_scoped3A_429, %dma_wait3A_436] : memref<9x128xi32, #tpu.memory_space<vmem>> -> memref<1x128xi32, #tpu.memory_space<vmem>>
        %dma_wait3A_438 = tpu.memref_squeeze %dma_wait3A_437 : memref<1x128xi32, #tpu.memory_space<vmem>> -> memref<128xi32, #tpu.memory_space<vmem>>
        %dma_wait3A_439 = arith.constant 0 : i32
        %dma_wait3A_440 = tpu.memref_slice %arg10[%dma_wait3A_439] : memref<1048576xf32, #tpu.memory_space<vmem_shared>> -> memref<1048576xf32, #tpu.memory_space<vmem_shared>>
        tpu.wait_indirect_dma semaphore(%run_scoped3A_430 : memref<!tpu.dma_semaphore, #tpu.memory_space<semaphore_mem>>) src(%arg8 : memref<128xf32, #tpu.memory_space<vmem>>) dst(%dma_wait3A_440 : memref<1048576xf32, #tpu.memory_space<vmem_shared>>)
        tpu.yield
      }) : () -> ()
    } else {
    }
    %dma_wait3A_376 = arith.constant 0 : i32
    %dma_wait3A_377 = arith.constant 0 : i32
    %dma_wait3A_378 = tpu.memref_slice %arg6[%dma_wait3A_376, %dma_wait3A_377] : memref<9x128xi32, #tpu.memory_space<vmem>> -> memref<1x128xi32, #tpu.memory_space<vmem>>
    %dma_wait3A_379 = tpu.memref_squeeze %dma_wait3A_378 : memref<1x128xi32, #tpu.memory_space<vmem>> -> memref<128xi32, #tpu.memory_space<vmem>>
    %dma_wait3A_380 = arith.constant 0 : i32
    %dma_wait3A_381 = tpu.memref_slice %arg10[%dma_wait3A_380] : memref<1048576xf32, #tpu.memory_space<vmem_shared>> -> memref<1048576xf32, #tpu.memory_space<vmem_shared>>
    tpu.wait_indirect_dma semaphore(%arg12 : memref<!tpu.dma_semaphore, #tpu.memory_space<semaphore_mem>>) src(%arg7 : memref<128xf32, #tpu.memory_space<vmem>>) dst(%dma_wait3A_381 : memref<1048576xf32, #tpu.memory_space<vmem_shared>>)
    %dma_wait3A_382 = arith.constant 1 : i32
    %dma_wait3A_383 = arith.constant 0 : i32
    %dma_wait3A_384 = tpu.memref_slice %arg6[%dma_wait3A_382, %dma_wait3A_383] : memref<9x128xi32, #tpu.memory_space<vmem>> -> memref<1x128xi32, #tpu.memory_space<vmem>>
    %dma_wait3A_385 = tpu.memref_squeeze %dma_wait3A_384 : memref<1x128xi32, #tpu.memory_space<vmem>> -> memref<128xi32, #tpu.memory_space<vmem>>
    %dma_wait3A_386 = arith.constant 0 : i32
    %dma_wait3A_387 = tpu.memref_slice %arg10[%dma_wait3A_386] : memref<1048576xf32, #tpu.memory_space<vmem_shared>> -> memref<1048576xf32, #tpu.memory_space<vmem_shared>>
    tpu.wait_indirect_dma semaphore(%arg12 : memref<!tpu.dma_semaphore, #tpu.memory_space<semaphore_mem>>) src(%arg7 : memref<128xf32, #tpu.memory_space<vmem>>) dst(%dma_wait3A_387 : memref<1048576xf32, #tpu.memory_space<vmem_shared>>)
    %dma_wait3A_388 = arith.constant 2 : i32
    %dma_wait3A_389 = arith.constant 0 : i32
    %dma_wait3A_390 = tpu.memref_slice %arg6[%dma_wait3A_388, %dma_wait3A_389] : memref<9x128xi32, #tpu.memory_space<vmem>> -> memref<1x128xi32, #tpu.memory_space<vmem>>
    %dma_wait3A_391 = tpu.memref_squeeze %dma_wait3A_390 : memref<1x128xi32, #tpu.memory_space<vmem>> -> memref<128xi32, #tpu.memory_space<vmem>>
    %dma_wait3A_392 = arith.constant 0 : i32
    %dma_wait3A_393 = tpu.memref_slice %arg10[%dma_wait3A_392] : memref<1048576xf32, #tpu.memory_space<vmem_shared>> -> memref<1048576xf32, #tpu.memory_space<vmem_shared>>
    tpu.wait_indirect_dma semaphore(%arg12 : memref<!tpu.dma_semaphore, #tpu.memory_space<semaphore_mem>>) src(%arg7 : memref<128xf32, #tpu.memory_space<vmem>>) dst(%dma_wait3A_393 : memref<1048576xf32, #tpu.memory_space<vmem_shared>>)
    %dma_wait3A_394 = arith.constant 3 : i32
    %dma_wait3A_395 = arith.constant 0 : i32
    %dma_wait3A_396 = tpu.memref_slice %arg6[%dma_wait3A_394, %dma_wait3A_395] : memref<9x128xi32, #tpu.memory_space<vmem>> -> memref<1x128xi32, #tpu.memory_space<vmem>>
    %dma_wait3A_397 = tpu.memref_squeeze %dma_wait3A_396 : memref<1x128xi32, #tpu.memory_space<vmem>> -> memref<128xi32, #tpu.memory_space<vmem>>
    %dma_wait3A_398 = arith.constant 0 : i32
    %dma_wait3A_399 = tpu.memref_slice %arg10[%dma_wait3A_398] : memref<1048576xf32, #tpu.memory_space<vmem_shared>> -> memref<1048576xf32, #tpu.memory_space<vmem_shared>>
    tpu.wait_indirect_dma semaphore(%arg12 : memref<!tpu.dma_semaphore, #tpu.memory_space<semaphore_mem>>) src(%arg7 : memref<128xf32, #tpu.memory_space<vmem>>) dst(%dma_wait3A_399 : memref<1048576xf32, #tpu.memory_space<vmem_shared>>)
    %dma_wait3A_400 = arith.constant 4 : i32
    %dma_wait3A_401 = arith.constant 0 : i32
    %dma_wait3A_402 = tpu.memref_slice %arg6[%dma_wait3A_400, %dma_wait3A_401] : memref<9x128xi32, #tpu.memory_space<vmem>> -> memref<1x128xi32, #tpu.memory_space<vmem>>
    %dma_wait3A_403 = tpu.memref_squeeze %dma_wait3A_402 : memref<1x128xi32, #tpu.memory_space<vmem>> -> memref<128xi32, #tpu.memory_space<vmem>>
    %dma_wait3A_404 = arith.constant 0 : i32
    %dma_wait3A_405 = tpu.memref_slice %arg10[%dma_wait3A_404] : memref<1048576xf32, #tpu.memory_space<vmem_shared>> -> memref<1048576xf32, #tpu.memory_space<vmem_shared>>
    tpu.wait_indirect_dma semaphore(%arg12 : memref<!tpu.dma_semaphore, #tpu.memory_space<semaphore_mem>>) src(%arg7 : memref<128xf32, #tpu.memory_space<vmem>>) dst(%dma_wait3A_405 : memref<1048576xf32, #tpu.memory_space<vmem_shared>>)
    %dma_wait3A_406 = arith.constant 5 : i32
    %dma_wait3A_407 = arith.constant 0 : i32
    %dma_wait3A_408 = tpu.memref_slice %arg6[%dma_wait3A_406, %dma_wait3A_407] : memref<9x128xi32, #tpu.memory_space<vmem>> -> memref<1x128xi32, #tpu.memory_space<vmem>>
    %dma_wait3A_409 = tpu.memref_squeeze %dma_wait3A_408 : memref<1x128xi32, #tpu.memory_space<vmem>> -> memref<128xi32, #tpu.memory_space<vmem>>
    %dma_wait3A_410 = arith.constant 0 : i32
    %dma_wait3A_411 = tpu.memref_slice %arg10[%dma_wait3A_410] : memref<1048576xf32, #tpu.memory_space<vmem_shared>> -> memref<1048576xf32, #tpu.memory_space<vmem_shared>>
    tpu.wait_indirect_dma semaphore(%arg12 : memref<!tpu.dma_semaphore, #tpu.memory_space<semaphore_mem>>) src(%arg7 : memref<128xf32, #tpu.memory_space<vmem>>) dst(%dma_wait3A_411 : memref<1048576xf32, #tpu.memory_space<vmem_shared>>)
    %dma_wait3A_412 = arith.constant 6 : i32
    %dma_wait3A_413 = arith.constant 0 : i32
    %dma_wait3A_414 = tpu.memref_slice %arg6[%dma_wait3A_412, %dma_wait3A_413] : memref<9x128xi32, #tpu.memory_space<vmem>> -> memref<1x128xi32, #tpu.memory_space<vmem>>
    %dma_wait3A_415 = tpu.memref_squeeze %dma_wait3A_414 : memref<1x128xi32, #tpu.memory_space<vmem>> -> memref<128xi32, #tpu.memory_space<vmem>>
    %dma_wait3A_416 = arith.constant 0 : i32
    %dma_wait3A_417 = tpu.memref_slice %arg10[%dma_wait3A_416] : memref<1048576xf32, #tpu.memory_space<vmem_shared>> -> memref<1048576xf32, #tpu.memory_space<vmem_shared>>
    tpu.wait_indirect_dma semaphore(%arg12 : memref<!tpu.dma_semaphore, #tpu.memory_space<semaphore_mem>>) src(%arg7 : memref<128xf32, #tpu.memory_space<vmem>>) dst(%dma_wait3A_417 : memref<1048576xf32, #tpu.memory_space<vmem_shared>>)
    %dma_wait3A_418 = arith.constant 7 : i32
    %dma_wait3A_419 = arith.constant 0 : i32
    %dma_wait3A_420 = tpu.memref_slice %arg6[%dma_wait3A_418, %dma_wait3A_419] : memref<9x128xi32, #tpu.memory_space<vmem>> -> memref<1x128xi32, #tpu.memory_space<vmem>>
    %dma_wait3A_421 = tpu.memref_squeeze %dma_wait3A_420 : memref<1x128xi32, #tpu.memory_space<vmem>> -> memref<128xi32, #tpu.memory_space<vmem>>
    %dma_wait3A_422 = arith.constant 0 : i32
    %dma_wait3A_423 = tpu.memref_slice %arg10[%dma_wait3A_422] : memref<1048576xf32, #tpu.memory_space<vmem_shared>> -> memref<1048576xf32, #tpu.memory_space<vmem_shared>>
    tpu.wait_indirect_dma semaphore(%arg12 : memref<!tpu.dma_semaphore, #tpu.memory_space<semaphore_mem>>) src(%arg7 : memref<128xf32, #tpu.memory_space<vmem>>) dst(%dma_wait3A_423 : memref<1048576xf32, #tpu.memory_space<vmem_shared>>)
    %barrier3A_424 = arith.constant 0 : index
    tpu.barrier barrier_id(%barrier3A_424)
    %mul3A_425 = arith.constant 65536 : i32
    %mul3A_426 = arith.muli %arg1, %mul3A_425 : i32
    %mul3A_427 = arith.constant 65536 : i32
    %mul3A_428 = arith.muli %arg1, %mul3A_427 : i32
    "tpu.region"() ({
      %run_scoped3A_429 = tpu.sem_alloc : memref<!tpu.dma_semaphore, #tpu.memory_space<semaphore_mem>>
      %dma_start3A_430 = tpu.memref_slice %arg3[%arg0, %mul3A_428] : memref<2x1048576xf32, #tpu.memory_space<hbm>> -> memref<1x65536xf32, #tpu.memory_space<hbm>>
      %dma_start3A_431 = tpu.memref_squeeze %dma_start3A_430 : memref<1x65536xf32, #tpu.memory_space<hbm>> -> memref<65536xf32, #tpu.memory_space<hbm>>
      %dma_start3A_432 = tpu.memref_slice %arg10[%mul3A_426] : memref<1048576xf32, #tpu.memory_space<vmem_shared>> -> memref<65536xf32, #tpu.memory_space<vmem_shared>>
      tpu.enqueue_dma source(%dma_start3A_432 : memref<65536xf32, #tpu.memory_space<vmem_shared>>) target(%dma_start3A_431 : memref<65536xf32, #tpu.memory_space<hbm>>) target_semaphore(%run_scoped3A_429 : memref<!tpu.dma_semaphore, #tpu.memory_space<semaphore_mem>>)
      %dma_wait3A_433 = tpu.memref_slice %arg3[%arg0, %mul3A_428] : memref<2x1048576xf32, #tpu.memory_space<hbm>> -> memref<1x65536xf32, #tpu.memory_space<hbm>>
      %dma_wait3A_434 = tpu.memref_squeeze %dma_wait3A_433 : memref<1x65536xf32, #tpu.memory_space<hbm>> -> memref<65536xf32, #tpu.memory_space<hbm>>
      %dma_wait3A_435 = tpu.memref_slice %arg10[%mul3A_426] : memref<1048576xf32, #tpu.memory_space<vmem_shared>> -> memref<65536xf32, #tpu.memory_space<vmem_shared>>
      tpu.wait_dma2 semaphore(%run_scoped3A_429 : memref<!tpu.dma_semaphore, #tpu.memory_space<semaphore_mem>>) src(%dma_wait3A_435 : memref<65536xf32, #tpu.memory_space<vmem_shared>>) dst(%dma_wait3A_434 : memref<65536xf32, #tpu.memory_space<hbm>>)
      tpu.yield
    }) : () -> ()
    return
  }
}

module attributes {stable_mosaic.version = 14 : i64} {
  func.func @_dense_body(%arg0: memref<2x1048576xf32, #tpu.memory_space<vmem>>, %arg1: memref<1024x256xf32, #tpu.memory_space<vmem>>, %arg2: memref<256x128xf32, #tpu.memory_space<vmem>>, %arg3: memref<256x128xf32, #tpu.memory_space<vmem>>, %arg4: memref<128xf32, #tpu.memory_space<vmem>>, %arg5: memref<128x64xf32, #tpu.memory_space<vmem>>, %arg6: memref<128x64xf32, #tpu.memory_space<vmem>>, %arg7: memref<64xf32, #tpu.memory_space<vmem>>, %arg8: memref<64x1xf32, #tpu.memory_space<vmem>>, %arg9: memref<1xf32, #tpu.memory_space<vmem>>, %arg10: memref<256x256xf32, #tpu.memory_space<vmem>>, %arg11: memref<256xf32, #tpu.memory_space<vmem>>, %arg12: memref<1024x256xf32, #tpu.memory_space<vmem>>) attributes {dimension_semantics = [], scalar_prefetch = 0 : i64, scratch_operands = 0 : i64, tpu.core_type = #tpu.core_type<tc>} {
    %get3A = arith.constant 0 : index
    %get3A_0 = vector.load %arg4[%get3A] : memref<128xf32, #tpu.memory_space<vmem>>, vector<128xf32>
    %reshape3A = vector.shape_cast %get3A_0 : vector<128xf32> to vector<1x128xf32>
    %get3A_1 = arith.constant 0 : index
    %get3A_2 = vector.load %arg7[%get3A_1] : memref<64xf32, #tpu.memory_space<vmem>>, vector<64xf32>
    %reshape3A_3 = vector.shape_cast %get3A_2 : vector<64xf32> to vector<1x64xf32>
    %get3A_4 = arith.constant 0 : index
    %get3A_5 = vector.load %arg9[%get3A_4] : memref<1xf32, #tpu.memory_space<vmem>>, vector<1xf32>
    %reshape3A_6 = vector.shape_cast %get3A_5 : vector<1xf32> to vector<1x1xf32>
    %get3A_7 = arith.constant 0 : index
    %get3A_8 = vector.load %arg11[%get3A_7] : memref<256xf32, #tpu.memory_space<vmem>>, vector<256xf32>
    %reshape3A_9 = vector.shape_cast %get3A_8 : vector<256xf32> to vector<1x256xf32>
    %get3A_10 = arith.constant 0 : index
    %get3A_11 = arith.constant 0 : index
    %get3A_12 = vector.load %arg0[%get3A_10, %get3A_11] : memref<2x1048576xf32, #tpu.memory_space<vmem>>, vector<1x1048576xf32>
    %get3A_13 = vector.shape_cast %get3A_12 : vector<1x1048576xf32> to vector<1048576xf32>
    %reshape3A_14 = vector.shape_cast %get3A_13 : vector<1048576xf32> to vector<1024x1024xf32>
    %get3A_15 = arith.constant 1 : index
    %get3A_16 = arith.constant 0 : index
    %get3A_17 = vector.load %arg0[%get3A_15, %get3A_16] : memref<2x1048576xf32, #tpu.memory_space<vmem>>, vector<1x1048576xf32>
    %get3A_18 = vector.shape_cast %get3A_17 : vector<1x1048576xf32> to vector<1048576xf32>
    %reshape3A_19 = vector.shape_cast %get3A_18 : vector<1048576xf32> to vector<1024x1024xf32>
    %get3A_20 = arith.constant 0 : index
    %get3A_21 = arith.constant 0 : index
    %get3A_22 = vector.load %arg1[%get3A_20, %get3A_21] : memref<1024x256xf32, #tpu.memory_space<vmem>>, vector<1024x256xf32>
    %reduce_sum3A = arith.constant dense<0.000000e+00> : vector<1024xf32>
    %reduce_sum3A_23 = vector.multi_reduction <add>, %reshape3A_14, %reduce_sum3A [1] : vector<1024x1024xf32> to vector<1024xf32>
    %broadcast_in_dim3A = vector.shape_cast %reduce_sum3A_23 : vector<1024xf32> to vector<1024x1xf32>
    %max3A = arith.constant 1.000000e+00 : f32
    %max3A_24 = vector.broadcast %max3A : f32 to vector<1024x1xf32>
    %max3A_25 = arith.maximumf %broadcast_in_dim3A, %max3A_24 : vector<1024x1xf32>
    %div3A = arith.constant 1.000000e+00 : f32
    %div3A_26 = vector.broadcast %div3A : f32 to vector<1024x1xf32>
    %div3A_27 = arith.divf %div3A_26, %max3A_25 : vector<1024x1xf32>
    %reduce_sum3A_28 = arith.constant dense<0.000000e+00> : vector<1024xf32>
    %reduce_sum3A_29 = vector.multi_reduction <add>, %reshape3A_19, %reduce_sum3A_28 [1] : vector<1024x1024xf32> to vector<1024xf32>
    %broadcast_in_dim3A_30 = vector.shape_cast %reduce_sum3A_29 : vector<1024xf32> to vector<1024x1xf32>
    %reduce_sum3A_31 = arith.constant dense<0.000000e+00> : vector<1024xf32>
    %reduce_sum3A_32 = vector.multi_reduction <add>, %reshape3A_14, %reduce_sum3A_31 [0] : vector<1024x1024xf32> to vector<1024xf32>
    %broadcast_in_dim3A_33 = vector.shape_cast %reduce_sum3A_32 : vector<1024xf32> to vector<1x1024xf32>
    %add3A = arith.constant 1.000000e+00 : f32
    %add3A_34 = vector.broadcast %add3A : f32 to vector<1x1024xf32>
    %add3A_35 = arith.addf %add3A_34, %broadcast_in_dim3A_33 : vector<1x1024xf32>
    %gt3A = arith.constant 0.000000e+00 : f32
    %gt3A_36 = vector.broadcast %gt3A : f32 to vector<1024x1024xf32>
    %gt3A_37 = arith.cmpf ogt, %reshape3A_19, %gt3A_36 : vector<1024x1024xf32>
    %rsqrt3A = math.rsqrt %broadcast_in_dim3A_30 : vector<1024x1xf32>
    %rsqrt3A_38 = math.rsqrt %add3A_35 : vector<1x1024xf32>
    %mul3A = vector.broadcast %rsqrt3A : vector<1024x1xf32> to vector<1024x1024xf32>
    %mul3A_39 = vector.broadcast %rsqrt3A_38 : vector<1x1024xf32> to vector<1024x1024xf32>
    %mul3A_40 = arith.mulf %mul3A, %mul3A_39 : vector<1024x1024xf32>
    %jit3A = arith.constant 0.000000e+00 : f32
    %broadcast_in_dim3A_41 = vector.broadcast %jit3A : f32 to vector<1024x1024xf32>
    %select_n3A = arith.select %gt3A_37, %mul3A_40, %broadcast_in_dim3A_41 : vector<1024x1024xi1>, vector<1024x1024xf32>
    %convert_element_type3A = arith.truncf %reshape3A_14 : vector<1024x1024xf32> to vector<1024x1024xbf16>
    %convert_element_type3A_42 = arith.truncf %get3A_22 : vector<1024x256xf32> to vector<1024x256xbf16>
    %dot_general3A = arith.constant dense<0.000000e+00> : vector<1024x256xf32>
    %dot_general3A_43 = tpu.matmul %convert_element_type3A, %convert_element_type3A_42, %dot_general3A {dimension_numbers = #tpu.dot_dimension_numbers<[1], [0], [0], [1], [0, 0, 1, 1], [], []>, transpose_lhs_hint = false} : vector<1024x1024xbf16>, vector<1024x256xbf16>, vector<1024x256xf32> -> vector<1024x256xf32>
    %mul3A_44 = vector.broadcast %div3A_27 : vector<1024x1xf32> to vector<1024x256xf32>
    %mul3A_45 = arith.mulf %dot_general3A_43, %mul3A_44 : vector<1024x256xf32>
    %convert_element_type3A_46 = arith.truncf %mul3A_45 : vector<1024x256xf32> to vector<1024x256xbf16>
    %get3A_47 = arith.constant 0 : index
    %get3A_48 = arith.constant 0 : index
    %get3A_49 = vector.load %arg2[%get3A_47, %get3A_48] : memref<256x128xf32, #tpu.memory_space<vmem>>, vector<256x128xf32>
    %convert_element_type3A_50 = arith.truncf %get3A_49 : vector<256x128xf32> to vector<256x128xbf16>
    %dot_general3A_51 = arith.constant dense<0.000000e+00> : vector<1024x128xf32>
    %dot_general3A_52 = tpu.matmul %convert_element_type3A_46, %convert_element_type3A_50, %dot_general3A_51 {dimension_numbers = #tpu.dot_dimension_numbers<[1], [0], [0], [1], [0, 0, 1, 1], [], []>, transpose_lhs_hint = false} : vector<1024x256xbf16>, vector<256x128xbf16>, vector<1024x128xf32> -> vector<1024x128xf32>
    %get3A_53 = arith.constant 0 : index
    %get3A_54 = arith.constant 0 : index
    %get3A_55 = vector.load %arg3[%get3A_53, %get3A_54] : memref<256x128xf32, #tpu.memory_space<vmem>>, vector<256x128xf32>
    %convert_element_type3A_56 = arith.truncf %get3A_55 : vector<256x128xf32> to vector<256x128xbf16>
    %dot_general3A_57 = arith.constant dense<0.000000e+00> : vector<1024x128xf32>
    %dot_general3A_58 = tpu.matmul %convert_element_type3A_42, %convert_element_type3A_56, %dot_general3A_57 {dimension_numbers = #tpu.dot_dimension_numbers<[1], [0], [0], [1], [0, 0, 1, 1], [], []>, transpose_lhs_hint = false} : vector<1024x256xbf16>, vector<256x128xbf16>, vector<1024x128xf32> -> vector<1024x128xf32>
    %add3A_59 = arith.addf %dot_general3A_52, %dot_general3A_58 : vector<1024x128xf32>
    %add3A_60 = vector.broadcast %reshape3A : vector<1x128xf32> to vector<1024x128xf32>
    %add3A_61 = arith.addf %add3A_59, %add3A_60 : vector<1024x128xf32>
    %max3A_62 = arith.constant 0.000000e+00 : f32
    %max3A_63 = vector.broadcast %max3A_62 : f32 to vector<1024x128xf32>
    %max3A_64 = arith.maximumf %add3A_61, %max3A_63 : vector<1024x128xf32>
    %convert_element_type3A_65 = arith.truncf %max3A_64 : vector<1024x128xf32> to vector<1024x128xbf16>
    %dot_general3A_66 = arith.constant dense<0.000000e+00> : vector<1024x128xf32>
    %dot_general3A_67 = tpu.matmul %convert_element_type3A, %convert_element_type3A_65, %dot_general3A_66 {dimension_numbers = #tpu.dot_dimension_numbers<[1], [0], [0], [1], [0, 0, 1, 1], [], []>, transpose_lhs_hint = false} : vector<1024x1024xbf16>, vector<1024x128xbf16>, vector<1024x128xf32> -> vector<1024x128xf32>
    %mul3A_68 = vector.broadcast %div3A_27 : vector<1024x1xf32> to vector<1024x128xf32>
    %mul3A_69 = arith.mulf %dot_general3A_67, %mul3A_68 : vector<1024x128xf32>
    %convert_element_type3A_70 = arith.truncf %mul3A_69 : vector<1024x128xf32> to vector<1024x128xbf16>
    %get3A_71 = arith.constant 0 : index
    %get3A_72 = arith.constant 0 : index
    %get3A_73 = vector.load %arg5[%get3A_71, %get3A_72] : memref<128x64xf32, #tpu.memory_space<vmem>>, vector<128x64xf32>
    %convert_element_type3A_74 = arith.truncf %get3A_73 : vector<128x64xf32> to vector<128x64xbf16>
    %dot_general3A_75 = arith.constant dense<0.000000e+00> : vector<1024x64xf32>
    %dot_general3A_76 = tpu.matmul %convert_element_type3A_70, %convert_element_type3A_74, %dot_general3A_75 {dimension_numbers = #tpu.dot_dimension_numbers<[1], [0], [0], [1], [0, 0, 1, 1], [], []>, transpose_lhs_hint = false} : vector<1024x128xbf16>, vector<128x64xbf16>, vector<1024x64xf32> -> vector<1024x64xf32>
    %convert_element_type3A_77 = arith.truncf %max3A_64 : vector<1024x128xf32> to vector<1024x128xbf16>
    %get3A_78 = arith.constant 0 : index
    %get3A_79 = arith.constant 0 : index
    %get3A_80 = vector.load %arg6[%get3A_78, %get3A_79] : memref<128x64xf32, #tpu.memory_space<vmem>>, vector<128x64xf32>
    %convert_element_type3A_81 = arith.truncf %get3A_80 : vector<128x64xf32> to vector<128x64xbf16>
    %dot_general3A_82 = arith.constant dense<0.000000e+00> : vector<1024x64xf32>
    %dot_general3A_83 = tpu.matmul %convert_element_type3A_77, %convert_element_type3A_81, %dot_general3A_82 {dimension_numbers = #tpu.dot_dimension_numbers<[1], [0], [0], [1], [0, 0, 1, 1], [], []>, transpose_lhs_hint = false} : vector<1024x128xbf16>, vector<128x64xbf16>, vector<1024x64xf32> -> vector<1024x64xf32>
    %add3A_84 = arith.addf %dot_general3A_76, %dot_general3A_83 : vector<1024x64xf32>
    %add3A_85 = vector.broadcast %reshape3A_3 : vector<1x64xf32> to vector<1024x64xf32>
    %add3A_86 = arith.addf %add3A_84, %add3A_85 : vector<1024x64xf32>
    %max3A_87 = arith.constant 0.000000e+00 : f32
    %max3A_88 = vector.broadcast %max3A_87 : f32 to vector<1024x64xf32>
    %max3A_89 = arith.maximumf %add3A_86, %max3A_88 : vector<1024x64xf32>
    %get3A_90 = arith.constant 0 : index
    %get3A_91 = arith.constant 0 : index
    %get3A_92 = vector.load %arg8[%get3A_90, %get3A_91] : memref<64x1xf32, #tpu.memory_space<vmem>>, vector<64x1xf32>
    %dot_general3A_93 = arith.constant dense<0.000000e+00> : vector<1024x1xf32>
    %dot_general3A_94 = tpu.matmul %max3A_89, %get3A_92, %dot_general3A_93 {dimension_numbers = #tpu.dot_dimension_numbers<[1], [0], [0], [1], [0, 0, 1, 1], [], []>, transpose_lhs_hint = false} : vector<1024x64xf32>, vector<64x1xf32>, vector<1024x1xf32> -> vector<1024x1xf32>
    %add3A_95 = vector.broadcast %reshape3A_6 : vector<1x1xf32> to vector<1024x1xf32>
    %add3A_96 = arith.addf %dot_general3A_94, %add3A_95 : vector<1024x1xf32>
    %cos3A = math.cos %add3A_96 : vector<1024x1xf32>
    %sin3A = math.sin %add3A_96 : vector<1024x1xf32>
    %get3A_97 = arith.constant 0 : index
    %get3A_98 = arith.constant 0 : index
    %get3A_99 = vector.load %arg10[%get3A_97, %get3A_98] : memref<256x256xf32, #tpu.memory_space<vmem>>, vector<256x256xf32>
    %convert_element_type3A_100 = arith.truncf %get3A_99 : vector<256x256xf32> to vector<256x256xbf16>
    %dot_general3A_101 = arith.constant dense<0.000000e+00> : vector<1024x256xf32>
    %dot_general3A_102 = tpu.matmul %convert_element_type3A_42, %convert_element_type3A_100, %dot_general3A_101 {dimension_numbers = #tpu.dot_dimension_numbers<[1], [0], [0], [1], [0, 0, 1, 1], [], []>, transpose_lhs_hint = false} : vector<1024x256xbf16>, vector<256x256xbf16>, vector<1024x256xf32> -> vector<1024x256xf32>
    %add3A_103 = vector.broadcast %reshape3A_9 : vector<1x256xf32> to vector<1024x256xf32>
    %add3A_104 = arith.addf %dot_general3A_102, %add3A_103 : vector<1024x256xf32>
    %mul3A_105 = vector.broadcast %cos3A : vector<1024x1xf32> to vector<1024x256xf32>
    %mul3A_106 = arith.mulf %mul3A_105, %add3A_104 : vector<1024x256xf32>
    %slice3A = vector.extract_strided_slice %add3A_104 {offsets = [0, 1], sizes = [1024, 255], strides = [1, 1]} : vector<1024x256xf32> to vector<1024x255xf32>
    %slice3A_107 = vector.extract_strided_slice %add3A_104 {offsets = [0, 0], sizes = [1024, 1], strides = [1, 1]} : vector<1024x256xf32> to vector<1024x1xf32>
    %concatenate3A = tpu.concatenate %slice3A, %slice3A_107 in 1 : vector<1024x255xf32>, vector<1024x1xf32> -> vector<1024x256xf32>
    %slice3A_108 = vector.extract_strided_slice %add3A_104 {offsets = [0, 255], sizes = [1024, 1], strides = [1, 1]} : vector<1024x256xf32> to vector<1024x1xf32>
    %slice3A_109 = vector.extract_strided_slice %add3A_104 {offsets = [0, 0], sizes = [1024, 255], strides = [1, 1]} : vector<1024x256xf32> to vector<1024x255xf32>
    %concatenate3A_110 = tpu.concatenate %slice3A_108, %slice3A_109 in 1 : vector<1024x1xf32>, vector<1024x255xf32> -> vector<1024x256xf32>
    %iota3A = tpu.iota {dimensions = array<i32: 1>} : vector<1024x256xi32>
    %jit3A_111 = arith.constant 2 : i32
    %eq3A = arith.constant 0 : i32
    %eq3A_112 = arith.cmpi eq, %jit3A_111, %eq3A : i32
    %jit3A_113 = arith.constant 1 : i32
    %select_n3A_114 = arith.select %eq3A_112, %jit3A_113, %jit3A_111 : i32
    %rem3A = vector.broadcast %select_n3A_114 : i32 to vector<1024x256xi32>
    %rem3A_115 = arith.remsi %iota3A, %rem3A : vector<1024x256xi32>
    %ne3A = arith.constant 0 : i32
    %ne3A_116 = vector.broadcast %ne3A : i32 to vector<1024x256xi32>
    %ne3A_117 = arith.cmpi ne, %rem3A_115, %ne3A_116 : vector<1024x256xi32>
    %lt3A = arith.constant 0 : i32
    %lt3A_118 = vector.broadcast %lt3A : i32 to vector<1024x256xi32>
    %lt3A_119 = arith.cmpi slt, %rem3A_115, %lt3A_118 : vector<1024x256xi32>
    %lt3A_120 = arith.constant 0 : i32
    %lt3A_121 = arith.cmpi slt, %select_n3A_114, %lt3A_120 : i32
    %ne3A_122 = vector.broadcast %lt3A_121 : i1 to vector<1024x256xi1>
    %ne3A_123 = vector.broadcast %ne3A_122 : vector<1024x256xi1> to vector<1024x256xi1>
    %ne3A_124 = arith.xori %lt3A_119, %ne3A_123 : vector<1024x256xi1>
    %and3A = arith.andi %ne3A_124, %ne3A_117 : vector<1024x256xi1>
    %add3A_125 = vector.broadcast %select_n3A_114 : i32 to vector<1024x256xi32>
    %add3A_126 = arith.addi %rem3A_115, %add3A_125 : vector<1024x256xi32>
    %select_n3A_127 = arith.select %and3A, %add3A_126, %rem3A_115 : vector<1024x256xi1>, vector<1024x256xi32>
    %eq3A_128 = arith.constant 0 : i32
    %eq3A_129 = vector.broadcast %eq3A_128 : i32 to vector<1024x256xi32>
    %eq3A_130 = arith.cmpi eq, %select_n3A_127, %eq3A_129 : vector<1024x256xi32>
    %neg3A = arith.constant 0.000000e+00 : f32
    %neg3A_131 = vector.broadcast %neg3A : f32 to vector<1024x256xf32>
    %neg3A_132 = arith.subf %neg3A_131, %concatenate3A_110 : vector<1024x256xf32>
    %select_n3A_133 = arith.select %eq3A_130, %concatenate3A, %neg3A_132 : vector<1024x256xi1>, vector<1024x256xf32>
    %mul3A_134 = vector.broadcast %sin3A : vector<1024x1xf32> to vector<1024x256xf32>
    %mul3A_135 = arith.mulf %mul3A_134, %select_n3A_133 : vector<1024x256xf32>
    %add3A_136 = arith.addf %mul3A_106, %mul3A_135 : vector<1024x256xf32>
    %convert_element_type3A_137 = arith.truncf %select_n3A : vector<1024x1024xf32> to vector<1024x1024xbf16>
    %convert_element_type3A_138 = arith.truncf %add3A_136 : vector<1024x256xf32> to vector<1024x256xbf16>
    %dot_general3A_139 = arith.constant dense<0.000000e+00> : vector<1024x256xf32>
    %dot_general3A_140 = tpu.matmul %convert_element_type3A_137, %convert_element_type3A_138, %dot_general3A_139 {dimension_numbers = #tpu.dot_dimension_numbers<[1], [0], [0], [1], [0, 0, 1, 1], [], []>, transpose_lhs_hint = false} : vector<1024x1024xbf16>, vector<1024x256xbf16>, vector<1024x256xf32> -> vector<1024x256xf32>
    %sub3A = arith.subf %add3A_136, %dot_general3A_140 : vector<1024x256xf32>
    %mul3A_141 = arith.constant -1.000000e+00 : f32
    %mul3A_142 = vector.broadcast %mul3A_141 : f32 to vector<1024x256xf32>
    %mul3A_143 = arith.mulf %mul3A_142, %sub3A : vector<1024x256xf32>
    %add3A_144 = arith.addf %add3A_136, %mul3A_143 : vector<1024x256xf32>
    %convert_element_type3A_145 = arith.truncf %mul3A_143 : vector<1024x256xf32> to vector<1024x256xbf16>
    %dot_general3A_146 = arith.constant dense<0.000000e+00> : vector<1024x256xf32>
    %dot_general3A_147 = tpu.matmul %convert_element_type3A_137, %convert_element_type3A_145, %dot_general3A_146 {dimension_numbers = #tpu.dot_dimension_numbers<[1], [0], [0], [1], [0, 0, 1, 1], [], []>, transpose_lhs_hint = false} : vector<1024x1024xbf16>, vector<1024x256xbf16>, vector<1024x256xf32> -> vector<1024x256xf32>
    %sub3A_148 = arith.subf %mul3A_143, %dot_general3A_147 : vector<1024x256xf32>
    %mul3A_149 = arith.constant -5.000000e-01 : f32
    %mul3A_150 = vector.broadcast %mul3A_149 : f32 to vector<1024x256xf32>
    %mul3A_151 = arith.mulf %mul3A_150, %sub3A_148 : vector<1024x256xf32>
    %add3A_152 = arith.addf %add3A_144, %mul3A_151 : vector<1024x256xf32>
    %convert_element_type3A_153 = arith.truncf %mul3A_151 : vector<1024x256xf32> to vector<1024x256xbf16>
    %dot_general3A_154 = arith.constant dense<0.000000e+00> : vector<1024x256xf32>
    %dot_general3A_155 = tpu.matmul %convert_element_type3A_137, %convert_element_type3A_153, %dot_general3A_154 {dimension_numbers = #tpu.dot_dimension_numbers<[1], [0], [0], [1], [0, 0, 1, 1], [], []>, transpose_lhs_hint = false} : vector<1024x1024xbf16>, vector<1024x256xbf16>, vector<1024x256xf32> -> vector<1024x256xf32>
    %sub3A_156 = arith.subf %mul3A_151, %dot_general3A_155 : vector<1024x256xf32>
    %mul3A_157 = arith.constant -0.333333343 : f32
    %mul3A_158 = vector.broadcast %mul3A_157 : f32 to vector<1024x256xf32>
    %mul3A_159 = arith.mulf %mul3A_158, %sub3A_156 : vector<1024x256xf32>
    %add3A_160 = arith.addf %add3A_152, %mul3A_159 : vector<1024x256xf32>
    %convert_element_type3A_161 = arith.truncf %mul3A_159 : vector<1024x256xf32> to vector<1024x256xbf16>
    %dot_general3A_162 = arith.constant dense<0.000000e+00> : vector<1024x256xf32>
    %dot_general3A_163 = tpu.matmul %convert_element_type3A_137, %convert_element_type3A_161, %dot_general3A_162 {dimension_numbers = #tpu.dot_dimension_numbers<[1], [0], [0], [1], [0, 0, 1, 1], [], []>, transpose_lhs_hint = false} : vector<1024x1024xbf16>, vector<1024x256xbf16>, vector<1024x256xf32> -> vector<1024x256xf32>
    %sub3A_164 = arith.subf %mul3A_159, %dot_general3A_163 : vector<1024x256xf32>
    %mul3A_165 = arith.constant -2.500000e-01 : f32
    %mul3A_166 = vector.broadcast %mul3A_165 : f32 to vector<1024x256xf32>
    %mul3A_167 = arith.mulf %mul3A_166, %sub3A_164 : vector<1024x256xf32>
    %add3A_168 = arith.addf %add3A_160, %mul3A_167 : vector<1024x256xf32>
    %convert_element_type3A_169 = arith.truncf %mul3A_167 : vector<1024x256xf32> to vector<1024x256xbf16>
    %dot_general3A_170 = arith.constant dense<0.000000e+00> : vector<1024x256xf32>
    %dot_general3A_171 = tpu.matmul %convert_element_type3A_137, %convert_element_type3A_169, %dot_general3A_170 {dimension_numbers = #tpu.dot_dimension_numbers<[1], [0], [0], [1], [0, 0, 1, 1], [], []>, transpose_lhs_hint = false} : vector<1024x1024xbf16>, vector<1024x256xbf16>, vector<1024x256xf32> -> vector<1024x256xf32>
    %sub3A_172 = arith.subf %mul3A_167, %dot_general3A_171 : vector<1024x256xf32>
    %mul3A_173 = arith.constant -2.000000e-01 : f32
    %mul3A_174 = vector.broadcast %mul3A_173 : f32 to vector<1024x256xf32>
    %mul3A_175 = arith.mulf %mul3A_174, %sub3A_172 : vector<1024x256xf32>
    %add3A_176 = arith.addf %add3A_168, %mul3A_175 : vector<1024x256xf32>
    %mul3A_177 = vector.broadcast %cos3A : vector<1024x1xf32> to vector<1024x256xf32>
    %mul3A_178 = arith.mulf %mul3A_177, %add3A_176 : vector<1024x256xf32>
    %slice3A_179 = vector.extract_strided_slice %add3A_176 {offsets = [0, 1], sizes = [1024, 255], strides = [1, 1]} : vector<1024x256xf32> to vector<1024x255xf32>
    %slice3A_180 = vector.extract_strided_slice %add3A_176 {offsets = [0, 0], sizes = [1024, 1], strides = [1, 1]} : vector<1024x256xf32> to vector<1024x1xf32>
    %concatenate3A_181 = tpu.concatenate %slice3A_179, %slice3A_180 in 1 : vector<1024x255xf32>, vector<1024x1xf32> -> vector<1024x256xf32>
    %slice3A_182 = vector.extract_strided_slice %add3A_176 {offsets = [0, 255], sizes = [1024, 1], strides = [1, 1]} : vector<1024x256xf32> to vector<1024x1xf32>
    %slice3A_183 = vector.extract_strided_slice %add3A_176 {offsets = [0, 0], sizes = [1024, 255], strides = [1, 1]} : vector<1024x256xf32> to vector<1024x255xf32>
    %concatenate3A_184 = tpu.concatenate %slice3A_182, %slice3A_183 in 1 : vector<1024x1xf32>, vector<1024x255xf32> -> vector<1024x256xf32>
    %iota3A_185 = tpu.iota {dimensions = array<i32: 1>} : vector<1024x256xi32>
    %jit3A_186 = arith.constant 2 : i32
    %eq3A_187 = arith.constant 0 : i32
    %eq3A_188 = arith.cmpi eq, %jit3A_186, %eq3A_187 : i32
    %jit3A_189 = arith.constant 1 : i32
    %select_n3A_190 = arith.select %eq3A_188, %jit3A_189, %jit3A_186 : i32
    %rem3A_191 = vector.broadcast %select_n3A_190 : i32 to vector<1024x256xi32>
    %rem3A_192 = arith.remsi %iota3A_185, %rem3A_191 : vector<1024x256xi32>
    %ne3A_193 = arith.constant 0 : i32
    %ne3A_194 = vector.broadcast %ne3A_193 : i32 to vector<1024x256xi32>
    %ne3A_195 = arith.cmpi ne, %rem3A_192, %ne3A_194 : vector<1024x256xi32>
    %lt3A_196 = arith.constant 0 : i32
    %lt3A_197 = vector.broadcast %lt3A_196 : i32 to vector<1024x256xi32>
    %lt3A_198 = arith.cmpi slt, %rem3A_192, %lt3A_197 : vector<1024x256xi32>
    %lt3A_199 = arith.constant 0 : i32
    %lt3A_200 = arith.cmpi slt, %select_n3A_190, %lt3A_199 : i32
    %ne3A_201 = vector.broadcast %lt3A_200 : i1 to vector<1024x256xi1>
    %ne3A_202 = vector.broadcast %ne3A_201 : vector<1024x256xi1> to vector<1024x256xi1>
    %ne3A_203 = arith.xori %lt3A_198, %ne3A_202 : vector<1024x256xi1>
    %and3A_204 = arith.andi %ne3A_203, %ne3A_195 : vector<1024x256xi1>
    %add3A_205 = vector.broadcast %select_n3A_190 : i32 to vector<1024x256xi32>
    %add3A_206 = arith.addi %rem3A_192, %add3A_205 : vector<1024x256xi32>
    %select_n3A_207 = arith.select %and3A_204, %add3A_206, %rem3A_192 : vector<1024x256xi1>, vector<1024x256xi32>
    %eq3A_208 = arith.constant 0 : i32
    %eq3A_209 = vector.broadcast %eq3A_208 : i32 to vector<1024x256xi32>
    %eq3A_210 = arith.cmpi eq, %select_n3A_207, %eq3A_209 : vector<1024x256xi32>
    %neg3A_211 = arith.constant 0.000000e+00 : f32
    %neg3A_212 = vector.broadcast %neg3A_211 : f32 to vector<1024x256xf32>
    %neg3A_213 = arith.subf %neg3A_212, %concatenate3A_184 : vector<1024x256xf32>
    %select_n3A_214 = arith.select %eq3A_210, %concatenate3A_181, %neg3A_213 : vector<1024x256xi1>, vector<1024x256xf32>
    %mul3A_215 = vector.broadcast %sin3A : vector<1024x1xf32> to vector<1024x256xf32>
    %mul3A_216 = arith.mulf %mul3A_215, %select_n3A_214 : vector<1024x256xf32>
    %sub3A_217 = arith.subf %mul3A_178, %mul3A_216 : vector<1024x256xf32>
    %max3A_218 = arith.constant 0.000000e+00 : f32
    %max3A_219 = vector.broadcast %max3A_218 : f32 to vector<1024x256xf32>
    %max3A_220 = arith.maximumf %sub3A_217, %max3A_219 : vector<1024x256xf32>
    %swap3A = arith.constant 0 : index
    %swap3A_221 = arith.constant 0 : index
    %swap3A_222 = vector.load %arg12[%swap3A, %swap3A_221] : memref<1024x256xf32, #tpu.memory_space<vmem>>, vector<1024x256xf32>
    tpu.vector_store %arg12[%swap3A, %swap3A_221], %max3A_220 {strides = array<i32>} : memref<1024x256xf32, #tpu.memory_space<vmem>>, vector<1024x256xf32>,
    return
  }
}

</mosaic_0001>

<sc_bundles>
// kernel: kernel.4.cloned.1.call-start
scs
__scs_entry_jumppad:
0x0: {  	(pc) =	sbr.rel $0x88, $3  }
0x1: {  	(tag) =	ssettag $0x0;
	lr =	simm.s32 $0x1  }
0x2: {  	[smem:$0x3F95] =	sst lr;
	_ =	strace $0xD0000000  }
0x3: {  	_ = 	snop  }
0x4: {  	_ = 	snop  }
0x5: {  	_ = 	snop  }
0x6: {  	_ = 	snop  }
0x7: {  	_ = 	snop  }
__scs_overlays_trampoline_lowered:
0x8: {  	[smem:$0x3FA4] =	sst s0  }
0x9: {  	[smem:$0x3FA5] =	sst s1  }
0xa: {  	[smem:$0x3FA6] =	sst s2  }
0xb: {  	[smem:$0x3FA7] =	sst s3  }
0xc: {  	[smem:$0x3FA8] =	sst s4  }
0xd: {  	[smem:$0x3FA9] =	sst s5  }
0xe: {  	[smem:$0x3FAA] =	sst s6  }
0xf: {  	[smem:$0x3FAB] =	sst s7  }
0x10: {  	[smem:$0x3FAC] =	sst s8  }
0x11: {  	[smem:$0x3FAD] =	sst s9;
	s0 =	simm.s32 @!p0 $0x0  }
0x12: {  	s1 =	sld [smem:$0x3F93];
	s0 =	simm.s32 @p0 $0x1  }
0x13: {  	[smem:$0x3FAE] =	sst s0;
	s0 =	simm.s32 @!p1 $0x0  }
0x14: {  	s2 =	sld [smem:$0x3F92];
	s0 =	simm.s32 @p1 $0x1  }
0x15: {  	[smem:$0x3FAF] =	sst s0;
	s0 =	simm.s32 @!p2 $0x0  }
0x16: {  	s3 =	sld [smem:$0x3FDB];
	s0 =	simm.s32 @p2 $0x1  }
0x17: {  	s4 =	simm.s32 $0x1BF5;
	[smem:$0x3FB1] =	sst s0  }
0x18: {  	s0 =	sld [smem:$0x3F94];
	_ =	swait.ge [sflag:s4], $0x0  }
0x19: {  	s7 =	sld [smem:$0x3F95]  }
0x1a: {  	s8 =	sadd.s32 $0xFFFFE003, lr  }
0x1b: {  	s9 =	sadd.s32 $0xFFFFFEF7, lr;
	s5 =	simm.s32 $0xFFFFFFFF;
	p2 =	slt.u32 s8, $0xFFFFF086  }
0x1c: {  	p1 =	slt.u32 s9, $0xF7A;
	s5 =	simm.s32 @!p2 $0x0  }
0x1d: {  	s5 =	simm.s32 @p1 $0x1;
	p0 =	seq.s32 s7, s2  }
0x1e: {  	s7 =	smul.u32 @!p0 $0xF7A, s2;
	p2 =	seq.s32 @!p0 s5, $0x0  }
0x1f: {  	s9 =	smul.u32 $0xF7A, s1;
	s8 =	simm.s32 @!p0 $0x1BF5;
	p2 =	por !p2, p0  }
0x20: {  	[sflag:s8] =	ssyncset.s32 @!p0 $0xFFFFF086;
	s6 =	sadd.s32 @!p0 s3, s7;
	s7 =	simm.s32 @!p0 $0x108  }
0x21: {  	s3 =	sadd.s32 s3, s9;
	s6 =	sadd.s32 @!p0 $0x88, s6;
	s7 =	simm.s32 @p2 $0x1082  }
0x22: {  	[simem:s7], [sflag:s8] =	dma.local @!p0 [hbm:s6], $0xF7A  }
0x23: {  	s9 =	sor.u32 $0xD0000000, s2;
	s6 =	simm.s32 $0x108;
	_ =	swait.ge @!p0 [sflag:s8], $0x0  }
0x24: {  	s3 =	sadd.s32 $0x88, s3;
	s6 =	simm.s32 @!p1 $0x1082;
	[sflag:s4] =	ssyncset.s32 $0xFFFFF086  }
0x25: {  	[simem:s6], [sflag:s4] =	dma.local [hbm:s3], $0xF7A  }
0x26: {  	[smem:$0x3F95] =	sst s1;
	(tag) =	ssettag s2;
	_ =	strace s9  }
0x27: {  	s1 =	sld [smem:$0x3FA5]  }
0x28: {  	s2 =	sld [smem:$0x3FA6]  }
0x29: {  	s4 =	sld [smem:$0x3FA8]  }
0x2a: {  	p0 =	seq.s32 s5, $0x0;
	s5 =	sld [smem:$0x3FA9]  }
0x2b: {  	s6 =	sld [smem:$0x3FAA]  }
0x2c: {  	s7 =	sld [smem:$0x3FAB]  }
0x2d: {  	s3 =	simm.s32 $0x108;
	s8 =	sld [smem:$0x3FAC]  }
0x2e: {  	s3 =	simm.s32 @!p0 $0x1082;
	s9 =	sld [smem:$0x3FAD]  }
0x2f: {  	lr =	sadd.s32 s0, s3;
	s0 =	sld [smem:$0x3FA4]  }
0x30: {  	s3 =	sld [smem:$0x3FA7]  }
0x31: {  	[smem:$0x3FB0] =	sst s10  }
0x32: {  	s10 =	sld [smem:$0x3FAE];
	_ =	sdelay $0x3  }
0x33: {  	p0 =	seq.s32 s10, $0x1;
	s10 =	sld [smem:$0x3FB0];
	_ =	sdelay $0x3  }
0x34: {  	[smem:$0x3FB0] =	sst s10  }
0x35: {  	s10 =	sld [smem:$0x3FAF];
	_ =	sdelay $0x3  }
0x36: {  	p1 =	seq.s32 s10, $0x1;
	s10 =	sld [smem:$0x3FB0];
	_ =	sdelay $0x3  }
0x37: {  	[smem:$0x3FB0] =	sst s10  }
0x38: {  	s10 =	sld [smem:$0x3FB1]  }
0x39: {  	_ = 	snop;
	(pc) =	sbr.ind lr, $3  }
0x3a: {  	_ = 	snop  }
0x3b: {  	_ = 	snop  }
0x3c: {  	p2 =	seq.s32 s10, $0x1;
	s10 =	sld [smem:$0x3FB0]  }
0x3d: {  	_ =	shalt  }
0x3e: {  	_ =	shalt  }
0x3f: {  	_ =	shalt  }
0x40: {  	_ =	shalt  }
0x41: {  	_ =	shalt  }
0x42: {  	_ =	shalt  }
0x43: {  	_ =	shalt  }
0x44: {  	_ =	shalt  }
0x45: {  	_ =	shalt  }
0x46: {  	_ =	shalt  }
0x47: {  	_ =	shalt  }
0x48: {  	_ =	shalt  }
0x49: {  	_ =	shalt  }
0x4a: {  	_ =	shalt  }
0x4b: {  	_ =	shalt  }
0x4c: {  	_ =	shalt  }
0x4d: {  	_ =	shalt  }
0x4e: {  	_ =	shalt  }
0x4f: {  	_ =	shalt  }
0x50: {  	_ =	shalt  }
0x51: {  	_ =	shalt  }
0x52: {  	_ =	shalt  }
0x53: {  	_ =	shalt  }
0x54: {  	_ =	shalt  }
0x55: {  	_ =	shalt  }
0x56: {  	_ =	shalt  }
0x57: {  	_ =	shalt  }
0x58: {  	_ =	shalt  }
0x59: {  	_ =	shalt  }
0x5a: {  	_ =	shalt  }
0x5b: {  	_ =	shalt  }
0x5c: {  	_ =	shalt  }
0x5d: {  	_ =	shalt  }
0x5e: {  	_ =	shalt  }
0x5f: {  	_ =	shalt  }
0x60: {  	_ =	shalt  }
0x61: {  	_ =	shalt  }
0x62: {  	_ =	shalt  }
0x63: {  	_ =	shalt  }
0x64: {  	_ =	shalt  }
0x65: {  	_ =	shalt  }
0x66: {  	_ =	shalt  }
0x67: {  	_ =	shalt  }
0x68: {  	_ =	shalt  }
0x69: {  	_ =	shalt  }
0x6a: {  	_ =	shalt  }
0x6b: {  	_ =	shalt  }
0x6c: {  	_ =	shalt  }
0x6d: {  	_ =	shalt  }
0x6e: {  	_ =	shalt  }
0x6f: {  	_ =	shalt  }
0x70: {  	_ =	shalt  }
0x71: {  	_ =	shalt  }
0x72: {  	_ =	shalt  }
0x73: {  	_ =	shalt  }
0x74: {  	_ =	shalt  }
0x75: {  	_ =	shalt  }
0x76: {  	_ =	shalt  }
0x77: {  	_ =	shalt  }
0x78: {  	_ =	shalt  }
0x79: {  	_ =	shalt  }
0x7a: {  	_ =	shalt  }
0x7b: {  	_ =	shalt  }
0x7c: {  	_ =	shalt  }
0x7d: {  	_ =	shalt  }
0x7e: {  	_ =	shalt  }
0x7f: {  	_ =	shalt  }
0x80: {  	_ =	shalt  }
0x81: {  	_ =	shalt  }
0x82: {  	_ =	shalt  }
0x83: {  	_ =	shalt  }
0x84: {  	_ =	shalt  }
0x85: {  	_ =	shalt  }
0x86: {  	_ =	shalt  }
0x87: {  	_ =	shalt  }
.Lfunc_end0:
.L_simem_size_0:
called_computation_lowered:
.L_overlay_start_0:
0x88: {  	s2 =	sld [smem:$0x3FD9]  }
0x89: {  	s3 =	sld [smem:$0x3FFE];
	_ =	sdelay $0x1  }
0x8a: {  	s1 =	srdreg.scid  }
0x8b: {  	s0 =	sand.u32 $0x1, s1  }
0x8c: {  	s17 =	sshll.u32 s0, $0xA;
	s2 =	sadd.s32 s3, s2  }
0x8d: {  	s2 =	sadd.s32 s2, s17  }
0x8e: {  	[smem:$0x3FBC] =	sst s2  }
0x8f: {  	_ = 	snop  }
0x90: {  	s2 =	sld [smem:$0x3FC8];
	(tm) =	ssettm $0x1  }
0x91: {  	s18 =	sld [smem:$0x3FFB];
	_ =	sdelay $0x3  }
0x92: {  	_ =	strace s18  }
0x93: {  	s3 =	sld [smem:$0x3FFC];
	_ =	sdelay $0x3  }
0x94: {  	_ =	strace s3  }
0x95: {  	s3 =	sld [smem:$0x3FFD];
	_ =	sdelay $0x3  }
0x96: {  	_ =	strace s3  }
0x97: {  	_ =	strace $0x8FFFFFFF  }
0x98: {  	s19 =	sld [smem:$0x3FDB];
	_ =	sdelay $0x1  }
0x99: {  	s4 =	simm.s32 $_scs_section_size  }
0x9a: {  	s5 =	simm.s32 $_size__tile_overlayer_lowered;
	s6 =	simm.s32 $_tile_overlayer_lowered  }
0x9b: {  	s22 =	simm.s32 $0x1BFF;
	s21 =	sshll.u32 s6, $0x1;
	s3 =	sadd.s32 s4, s19  }
0x9c: {  	s7 =	simm.s32 $0x0;
	s20 =	sshll.u32 s5, $0x1;
	s5 =	sadd.s32 s21, s3  }
0x9d: {  	[timem:s7], [sflag:s22] =	dma.local [hbm:s5], s20  }
0x9e: {  	_ =	swait.ge [sflag:s22], s20  }
0x9f: {  	s4 =	ssub.s32 $0x0, s20;
	[sflag:s22] =	ssyncset.done $0x0  }
0xa0: {  	[sflag:s22] =	ssyncadd.s32 s4;
	_ =	sdelay $0x1  }
0xa1: {  	s23 =	simm.s32 $0x1B8B  }
0xa2: {  	_ =	swait.ge [sflag:s23], $0x1  }
0xa3: {  	[sflag:s23] =	ssyncset.done $0x0  }
0xa4: {  	s25 =	simm.s32 $0x1B8E;
	s24 =	sld [smem:$0x3FFE];
	[sflag:s23] =	ssyncadd.s32 $0xFFFFFFFF  }
0xa5: {  	s26 =	simm.s32 $execute0_lowered;
	[smem:$0x3FD2] =	sst s25  }
0xa6: {  	s5 =	sshll.u32 s26, $0x1;
	_ =	strace $0x80000046;
	[dreg:$0x1] =	wrdreg $0xFFFFFFFF  }
0xa7: {  	s28 =	simm.s32 $_size_execute0_lowered;
	s3 =	sadd.s32 s3, s5;
	[dreg:$0x0] =	wrdreg $0x0  }
0xa8: {  	s5 =	sshll.u32 s28, $0x1;
	[dreg:$0x2] =	wrdreg s3  }
0xa9: {  	[dreg:$0x3] =	wrdreg s5  }
0xaa: {  	[dreg:$0x4] =	wrdreg $0xC0  }
0xab: {  	_ =	task [dreg:s7], $0x5FFFF  }
0xac: {  	[dreg:$0x1] =	wrdreg $0xFFFFFFFF  }
0xad: {  	[dreg:$0x0] =	wrdreg $0x60  }
0xae: {  	[dreg:$0x2] =	wrdreg s2  }
0xaf: {  	[dreg:$0x3] =	wrdreg s24  }
0xb0: {  	[dreg:$0x4] =	wrdreg $0x21000  }
0xb1: {  	[dreg:$0x5] =	wrdreg $0x9  }
0xb2: {  	_ =	task.clear_ibuf [dreg:s7], $0x6FFFF;
	_ =	strace $0x90000046  }
0xb3: {  	s29 =	simm.s32 $0x9;
	_ =	strace $0x80000048  }
0xb4: {  	_ =	swait.ge [sflag:s29], $0x1  }
0xb5: {  	[sflag:s29] =	ssyncadd.s32 $0xFFFFFFFF  }
0xb6: {  	_ =	strace $0x90000048  }
0xb7: {  	_ =	sfence  }
0xb8: {  	s30 =	sld [smem:$0x0];
	_ =	sdelay $0x2  }
0xb9: {  	s31 =	sshll.u32 s1, $0xD;
	s1 =	sshrl.u32 s1, $0x2  }
0xba: {  	s3 =	sand.u32 $0x4000, s31;
	s1 =	sadd.s32 s1, s30  }
0xbb: {  	s0 =	sor.u32 s3, s0;
	s1 =	sshll.u32 s1, $0x11  }
0xbc: {  	s0 =	sor.u32 s1, s0  }
0xbd: {  	s0 =	sadd.s32 $0x8F2B, s0  }
0xbe: {  	[sflag:s0] =	ssyncadd.remote.s32 $0x1  }
0xbf: {  	_ =	sfence.sel $0xFFFF  }
0xc0: {  	[dreg:$0x0] =	wrdreg $0xFFFFFFFF;
	(pc) =	sbr.abs _section_cstart, $3  }
0xc1: {  	[dreg:$0x1] =	wrdreg $0xFFFFFFFF  }
0xc2: {  	_ =	task.clear_ibuf [dreg:s7], $0x2FFFF;
	_ =	strace $0x9FFFFFFF  }
0xc3: {  	(tm) =	ssettm $0x7FFFFFFF  }
tec
execute0_lowered:
.L_overlay_start_1:
0x0: {  	(tag) =	ssettag $0x1  }
0x1: {  	s0 =	rddreg [dreg:$0x0]  }
0x2: {  	s3 =	rddreg [dreg:$0x1]  }
0x3: {  	s1 =	rddreg [dreg:$0x2]  }
0x4: {  	s2 =	simm.s32 $0x0;
	s4 =	srdreg.scid;
	s22 =	stileid.u32  }
0x5: {  	s28 =	simm.s32 $0x100;
	s29 =	simm.s32 $0x3;
	s31 =	simm.s32 $0x1  }
0x6: {  	[smem:$0x7FF] =	sst s2;
	s5 =	sand.u32 $0x1, s4;
	s8 =	sshll.u32 s22, $0x10  }
0x7: {  	s23 =	sshll.u32 s22, $0x8;
	s24 =	sshll.u32 s22, $0xE;
	s22 =	sshll.u32 s22, $0x6  }
0x8: {  	_ =	strace $0x80000047;
	s4 =	ssub.s32 $0x2, s5;
	s6 =	sshll.u32 s5, $0x4  }
0x9: {  	p0 =	seq.s32 s5, $0x0;
	s25 =	sor.u32 $0x10, s22;
	s26 =	sor.u32 $0x20, s22  }
0xa: {  	s30 =	sor.u32 $0x30, s22;
	s7 =	sshrl.u32 s4, $0x1;
	s3 =	sadd.s32 s6, s3  }
0xb: {  	v1 =	vmov s25;
	s25 =	simm.s32 $0x1100;
	s6 =	ssub.s32 s4, s7;
	s4 =	sadd.s32 s8, s1  }
0xc: {  	v2 =	vmov s26;
	s26 =	simm.s32 $0x80;
	s18 =	sadd.s32 $0x1000, s4;
	s19 =	sadd.s32 $0x2000, s4  }
0xd: {  	s20 =	sadd.s32 $0x3000, s4;
	s21 =	sadd.s32 $0x4000, s4;
	s9 =	sadd.s32 $0x5000, s4  }
0xe: {  	v0 =	vmov s22;
	s10 =	sadd.s32 $0x6000, s4;
	s11 =	sadd.s32 $0x7000, s4;
	[dreg:$0x4] =	wrdreg s18  }
0xf: {  	v0 =	vmul.u32 $0x401, v0;
	v3 =	vmov s30;
	v1 =	vmul.u32 $0x401, v1;
	s12 =	sadd.s32 $0x8000, s4;
	s13 =	sadd.s32 $0x9000, s4;
	[dreg:$0x5] =	wrdreg s19  }
0x10: {  	v4 =	vlaneseq.u32;
	v2 =	vmul.u32 $0x401, v2;
	v3 =	vmul.u32 $0x401, v3;
	s14 =	sadd.s32 $0xA000, s4;
	s15 =	sadd.s32 $0xB000, s4;
	[dreg:$0x6] =	wrdreg s20  }
0x11: {  	v4 =	vmul.u32 $0x401, v4;
	s16 =	sadd.s32 $0xC000, s4;
	s17 =	sadd.s32 $0xD000, s4;
	v0 =	vbroadcast v0, $0x0;
	[dreg:$0x7] =	wrdreg s21;
	v1 =	vbroadcast v1, $0x0  }
0x12: {  	s18 =	sadd.s32 $0xE000, s4;
	s19 =	sadd.s32 $0xF000, s4;
	s20 =	sadd.s32 s0, s23;
	v2 =	vbroadcast v2, $0x0;
	v3 =	vbroadcast v3, $0x0  }
0x13: {  	v5 =	vimm.f32 $1.000000000e+00;
	s0 =	sadd.s32 s24, s3;
	s24 =	smax.u32 s6, $0x1;
	s3 =	simm.s32 $0x1000;
	v0 =	vadd.s32 v4, v0;
	v1 =	vadd.s32 v4, v1  }
0x14: {  	s21 =	sadd.s32 $0x10, s20;
	s23 =	sadd.s32 $0x1A00, s0;
	s0 =	simm.s32 $0x2;
	v2 =	vadd.s32 v4, v2;
	v3 =	vadd.s32 v4, v3;
	v4 =	vimm.f32 $0.0e+00  }
.LBB2_1:
0x15: {  	s5 =	simm.s32 $0x40;
	s6 =	simm.s32 $0x0  }
.LBB2_2:
0x16: {  	p1 =	sne.s32 s5, $0x3FC0;
	[tilespmem:s6+$0x1100] =	vst v4;
	s6 =	smov.u32 s5;
	s5 =	sadd.s32 $0x40, s5  }
.Ltmp0:
0x17: {  	(pc) =	sbr.rel @p1 .LBB2_2-.Ltmp0, $2  }
0x18: {  	_ =	sdelay $0x2  }
0x19: {  	s6 =	sshra.s32 s6, $0x2  }
0x1a: {  	[tilespmem:s6+$0x1100] =	vst v4  }
0x1b: {  	[spmem:s4] =	stream.linear.scatter [tilespmem:s25], [sflag:$0x1], $0x1000, $0x38;
	[tilespmem:$0x12100] =	vst v63  }
0x1c: {  	s5 =	rddreg [dreg:$0x4]  }
0x1d: {  	[spmem:s5] =	stream.linear.scatter [tilespmem:s25], [sflag:$0x1], $0x1000, $0x38;
	[tilespmem:$0x12100] =	vst v63  }
0x1e: {  	s8 =	rddreg [dreg:$0x5]  }
0x1f: {  	[spmem:s8] =	stream.linear.scatter [tilespmem:s25], [sflag:$0x1], $0x1000, $0x38;
	[tilespmem:$0x12100] =	vst v63  }
0x20: {  	s6 =	rddreg [dreg:$0x6]  }
0x21: {  	[spmem:s6] =	stream.linear.scatter [tilespmem:s25], [sflag:$0x1], $0x1000, $0x38;
	[tilespmem:$0x12100] =	vst v63  }
0x22: {  	s7 =	rddreg [dreg:$0x7]  }
0x23: {  	[spmem:s7] =	stream.linear.scatter [tilespmem:s25], [sflag:$0x1], $0x1000, $0x38;
	[tilespmem:$0x12100] =	vst v63  }
0x24: {  	_ = 	snop  }
0x25: {  	[spmem:s9] =	stream.linear.scatter [tilespmem:s25], [sflag:$0x1], $0x1000, $0x38;
	[tilespmem:$0x12100] =	vst v63  }
0x26: {  	_ = 	snop  }
0x27: {  	[spmem:s10] =	stream.linear.scatter [tilespmem:s25], [sflag:$0x1], $0x1000, $0x38;
	[tilespmem:$0x12100] =	vst v63  }
0x28: {  	_ = 	snop  }
0x29: {  	[spmem:s11] =	stream.linear.scatter [tilespmem:s25], [sflag:$0x1], $0x1000, $0x38;
	[tilespmem:$0x12100] =	vst v63  }
0x2a: {  	_ = 	snop  }
0x2b: {  	[spmem:s12] =	stream.linear.scatter [tilespmem:s25], [sflag:$0x1], $0x1000, $0x38;
	[tilespmem:$0x12100] =	vst v63  }
0x2c: {  	_ = 	snop  }
0x2d: {  	[spmem:s13] =	stream.linear.scatter [tilespmem:s25], [sflag:$0x1], $0x1000, $0x38;
	[tilespmem:$0x12100] =	vst v63  }
0x2e: {  	_ = 	snop  }
0x2f: {  	[spmem:s14] =	stream.linear.scatter [tilespmem:s25], [sflag:$0x1], $0x1000, $0x38;
	[tilespmem:$0x12100] =	vst v63  }
0x30: {  	_ = 	snop  }
0x31: {  	[spmem:s15] =	stream.linear.scatter [tilespmem:s25], [sflag:$0x1], $0x1000, $0x38;
	[tilespmem:$0x12100] =	vst v63  }
0x32: {  	_ = 	snop  }
0x33: {  	[spmem:s16] =	stream.linear.scatter [tilespmem:s25], [sflag:$0x1], $0x1000, $0x38;
	[tilespmem:$0x12100] =	vst v63  }
0x34: {  	_ = 	snop  }
0x35: {  	[spmem:s17] =	stream.linear.scatter [tilespmem:s25], [sflag:$0x1], $0x1000, $0x38;
	[tilespmem:$0x12100] =	vst v63  }
0x36: {  	_ = 	snop  }
0x37: {  	[spmem:s18] =	stream.linear.scatter [tilespmem:s25], [sflag:$0x1], $0x1000, $0x38;
	[tilespmem:$0x12100] =	vst v63  }
0x38: {  	_ = 	snop  }
0x39: {  	[spmem:s19] =	stream.linear.scatter [tilespmem:s25], [sflag:$0x1], $0x1000, $0x38;
	[tilespmem:$0x12100] =	vst v63  }
0x3a: {  	s30 =	simm.s32 $0x0  }
0x3b: {  	[tilespmem:s30], [sflag:$0x3] =	stream.strided.gather [hbm4b:s20+s26], $0x400, s28, s26, $0x38;
	[tilespmem:$0x12100] =	vst v63  }
0x3c: {  	_ =	swait.ge [sflag:s29], $0x400  }
0x3d: {  	[sflag:s29] =	ssyncset.done $0x0  }
0x3e: {  	s8 =	simm.s32 $0x400;
	[sflag:s29] =	ssyncadd.s32 $0xFFFFFC00  }
0x3f: {  	[tilespmem:s8], [sflag:$0x3] =	stream.strided.gather [hbm4b:s21+s26], $0x400, s28, s26, $0x38;
	[tilespmem:$0x12100] =	vst v63  }
0x40: {  	_ =	swait.ge [sflag:s29], $0x400  }
0x41: {  	[sflag:s29] =	ssyncset.done $0x0  }
0x42: {  	[sflag:s29] =	ssyncadd.s32 $0xFFFFFC00  }
0x43: {  	[tilespmem:$0x1000] =	vst v5  }
0x44: {  	[tilespmem:$0x1080] =	vst v5  }
0x45: {  	[tilespmem:$0x1010] =	vst v5  }
0x46: {  	[tilespmem:$0x1090] =	vst v5  }
0x47: {  	[tilespmem:$0x1020] =	vst v5  }
0x48: {  	[tilespmem:$0x10A0] =	vst v5  }
0x49: {  	[tilespmem:$0x1030] =	vst v5  }
0x4a: {  	[tilespmem:$0x10B0] =	vst v5  }
0x4b: {  	[tilespmem:$0x1040] =	vst v5  }
0x4c: {  	[tilespmem:$0x10C0] =	vst v4  }
0x4d: {  	[tilespmem:$0x1050] =	vst v5  }
0x4e: {  	[tilespmem:$0x10D0] =	vst v4  }
0x4f: {  	[tilespmem:$0x1060] =	vst v5  }
0x50: {  	[tilespmem:$0x10E0] =	vst v4  }
0x51: {  	[tilespmem:$0x1070] =	vst v5  }
0x52: {  	s6 =	simm.s32 $0x0;
	[tilespmem:$0x10F0] =	vst v4  }
0x53: {  	v6 =	vld [tilespmem:s6+$0x400]  }
0x54: {  	v7 =	vld [tilespmem:s6+$0x0];
	_ =	sdelay $0x4  }
0x55: {  	s7 =	sand.u32 $0xE00, s30;
	v8 =	vpsel p0, v6, v7  }
0x56: {  	s5 =	sshrl.u32 s7, $0x2;
	s8 =	sand.u32 $0x70, s30;
	v6 =	vpsel p0, v7, v6;
	v7 =	vshll.u32 v8, $0xA  }
0x57: {  	s5 =	sor.u32 s8, s5;
	v6 =	vadd.s32 v6, v7  }
0x58: {  	s7 =	simm.s32 $0x10;
	[tilespmem:s5+$0x800] =	vst v6  }
0x59: {  	s6 =	simm.s32 $0x40;
	s5 =	simm.s32 $0x80;
	v6 =	vld [tilespmem:s7+$0x400]  }
.LBB2_4:
0x5a: {  	p1 =	sne.s32 s5, $0xFC0;
	v7 =	vld [tilespmem:s7+$0x0];
	_ =	sdelay $0x4  }
.Ltmp1:
0x5b: {  	s6 =	sand.u32 $0xE00, s6;
	s30 =	sadd.s32 $0x10, s30;
	v8 =	vpsel p0, v6, v7;
	(pc) =	sbr.rel @p1 .LBB2_4-.Ltmp1, $4  }
0x5c: {  	s7 =	sand.u32 $0x70, s30;
	s8 =	sshrl.u32 s6, $0x2;
	s6 =	smov.u32 s5;
	v6 =	vpsel p0, v7, v6;
	v7 =	vshll.u32 v8, $0xA  }
0x5d: {  	s8 =	sor.u32 s7, s8;
	v6 =	vadd.s32 v6, v7  }
0x5e: {  	s7 =	sshra.s32 s5, $0x2;
	[tilespmem:s8+$0x800] =	vst v6  }
0x5f: {  	s5 =	sadd.s32 $0x40, s5;
	v6 =	vld [tilespmem:s7+$0x400]  }
0x60: {  	v7 =	vld [tilespmem:s7+$0x0];
	_ =	sdelay $0x2  }
0x61: {  	[tilespmem:$0xC30] =	vst v3  }
0x62: {  	[tilespmem:$0xC40] =	vst v0  }
0x63: {  	s5 =	sand.u32 $0xE00, s6;
	s30 =	sadd.s32 $0x10, s30;
	[tilespmem:$0xC50] =	vst v1;
	v8 =	vpsel p0, v6, v7  }
0x64: {  	[tilespmem:$0xC60] =	vst v2;
	s6 =	sand.u32 $0x70, s30;
	s5 =	sshrl.u32 s5, $0x2;
	v6 =	vpsel p0, v7, v6;
	v7 =	vshll.u32 v8, $0xA  }
0x65: {  	[tilespmem:$0xC70] =	vst v3;
	s5 =	sor.u32 s6, s5;
	v6 =	vadd.s32 v6, v7  }
0x66: {  	[tilespmem:s5+$0x800] =	vst v6  }
0x67: {  	[tilespmem:$0xC00] =	vst v0  }
0x68: {  	[tilespmem:$0xC10] =	vst v1  }
0x69: {  	[tilespmem:$0xC20] =	vst v2  }
0x6a: {  	_ =	swait.ge [sflag:s31], $0x1000  }
0x6b: {  	[sflag:s31] =	ssyncset.done $0x0  }
0x6c: {  	[sflag:s31] =	ssyncadd.s32 $0xFFFFF000  }
0x6d: {  	_ =	swait.ge [sflag:s31], $0x1000  }
0x6e: {  	[sflag:s31] =	ssyncset.done $0x0  }
0x6f: {  	[sflag:s31] =	ssyncadd.s32 $0xFFFFF000  }
0x70: {  	_ =	swait.ge [sflag:s31], $0x1000  }
0x71: {  	[sflag:s31] =	ssyncset.done $0x0  }
0x72: {  	[sflag:s31] =	ssyncadd.s32 $0xFFFFF000  }
0x73: {  	_ =	swait.ge [sflag:s31], $0x1000  }
0x74: {  	[sflag:s31] =	ssyncset.done $0x0  }
0x75: {  	[sflag:s31] =	ssyncadd.s32 $0xFFFFF000  }
0x76: {  	_ =	swait.ge [sflag:s31], $0x1000  }
0x77: {  	[sflag:s31] =	ssyncset.done $0x0  }
0x78: {  	[sflag:s31] =	ssyncadd.s32 $0xFFFFF000  }
0x79: {  	_ =	swait.ge [sflag:s31], $0x1000  }
0x7a: {  	[sflag:s31] =	ssyncset.done $0x0  }
0x7b: {  	[sflag:s31] =	ssyncadd.s32 $0xFFFFF000  }
0x7c: {  	_ =	swait.ge [sflag:s31], $0x1000  }
0x7d: {  	[sflag:s31] =	ssyncset.done $0x0  }
0x7e: {  	[sflag:s31] =	ssyncadd.s32 $0xFFFFF000  }
0x7f: {  	_ =	swait.ge [sflag:s31], $0x1000  }
0x80: {  	[sflag:s31] =	ssyncset.done $0x0  }
0x81: {  	[sflag:s31] =	ssyncadd.s32 $0xFFFFF000  }
0x82: {  	_ =	swait.ge [sflag:s31], $0x1000  }
0x83: {  	[sflag:s31] =	ssyncset.done $0x0  }
0x84: {  	[sflag:s31] =	ssyncadd.s32 $0xFFFFF000  }
0x85: {  	_ =	swait.ge [sflag:s31], $0x1000  }
0x86: {  	[sflag:s31] =	ssyncset.done $0x0  }
0x87: {  	[sflag:s31] =	ssyncadd.s32 $0xFFFFF000  }
0x88: {  	_ =	swait.ge [sflag:s31], $0x1000  }
0x89: {  	[sflag:s31] =	ssyncset.done $0x0  }
0x8a: {  	[sflag:s31] =	ssyncadd.s32 $0xFFFFF000  }
0x8b: {  	_ =	swait.ge [sflag:s31], $0x1000  }
0x8c: {  	[sflag:s31] =	ssyncset.done $0x0  }
0x8d: {  	[sflag:s31] =	ssyncadd.s32 $0xFFFFF000  }
0x8e: {  	_ =	swait.ge [sflag:s31], $0x1000  }
0x8f: {  	[sflag:s31] =	ssyncset.done $0x0  }
0x90: {  	[sflag:s31] =	ssyncadd.s32 $0xFFFFF000  }
0x91: {  	_ =	swait.ge [sflag:s31], $0x1000  }
0x92: {  	[sflag:s31] =	ssyncset.done $0x0  }
0x93: {  	[sflag:s31] =	ssyncadd.s32 $0xFFFFF000  }
0x94: {  	_ =	swait.ge [sflag:s31], $0x1000  }
0x95: {  	[sflag:s31] =	ssyncset.done $0x0  }
0x96: {  	[sflag:s31] =	ssyncadd.s32 $0xFFFFF000  }
0x97: {  	_ =	swait.ge [sflag:s31], $0x1000  }
0x98: {  	[sflag:s31] =	ssyncset.done $0x0  }
0x99: {  	[sflag:s31] =	ssyncadd.s32 $0xFFFFF000  }
0x9a: {  	s6 =	simm.s32 $0x800;
	[bflag:$0x0] =	sbarrier.arrive $0xFFFF  }
0x9b: {  	[spmem:s1] =	stream.indirect.scatter.add.f32 [tilespmem:s3], [sflag:$0x2], $0x1, s6, s26, $0xb8;
	[tilespmem:$0x12100] =	vst v63  }
0x9c: {  	s7 =	simm.s32 $0x880  }
0x9d: {  	[spmem:s1] =	stream.indirect.scatter.add.f32 [tilespmem:s3], [sflag:$0x2], $0x1, s7, s26, $0xb8;
	[tilespmem:$0x12100] =	vst v63  }
0x9e: {  	s8 =	simm.s32 $0x900  }
0x9f: {  	[spmem:s1] =	stream.indirect.scatter.add.f32 [tilespmem:s3], [sflag:$0x2], $0x1, s8, s26, $0xb8;
	[tilespmem:$0x12100] =	vst v63  }
0xa0: {  	s30 =	simm.s32 $0x980  }
0xa1: {  	[spmem:s1] =	stream.indirect.scatter.add.f32 [tilespmem:s3], [sflag:$0x2], $0x1, s30, s26, $0xb8;
	[tilespmem:$0x12100] =	vst v63  }
0xa2: {  	s6 =	simm.s32 $0xA00  }
0xa3: {  	[spmem:s1] =	stream.indirect.scatter.add.f32 [tilespmem:s3], [sflag:$0x2], $0x1, s6, s26, $0xb8;
	[tilespmem:$0x12100] =	vst v63  }
0xa4: {  	s7 =	simm.s32 $0xA80  }
0xa5: {  	[spmem:s1] =	stream.indirect.scatter.add.f32 [tilespmem:s3], [sflag:$0x2], $0x1, s7, s26, $0xb8;
	[tilespmem:$0x12100] =	vst v63  }
0xa6: {  	s8 =	simm.s32 $0xB00  }
0xa7: {  	[spmem:s1] =	stream.indirect.scatter.add.f32 [tilespmem:s3], [sflag:$0x2], $0x1, s8, s26, $0xb8;
	[tilespmem:$0x12100] =	vst v63  }
0xa8: {  	s30 =	simm.s32 $0xB80  }
0xa9: {  	[spmem:s1] =	stream.indirect.scatter.add.f32 [tilespmem:s3], [sflag:$0x2], $0x1, s30, s26, $0xb8;
	[tilespmem:$0x12100] =	vst v63  }
0xaa: {  	s5 =	simm.s32 @!p0 $0x80;
	s6 =	simm.s32 @!p0 $0xC00;
	s7 =	simm.s32 @!p0 $0x1080  }
0xab: {  	[spmem:s1] =	stream.indirect.scatter.add.f32 @!p0 [tilespmem:s7], [sflag:$0x3], $0x1, s6, s5, $0xb8;
	[tilespmem:$0x12100] =	vst v63  }
0xac: {  	s5 =	simm.s32 @!p0 $0x3  }
0xad: {  	_ =	swait.ge @!p0 [sflag:s5], $0x80  }
0xae: {  	[sflag:s5] =	ssyncset.done @!p0 $0x0  }
0xaf: {  	[sflag:s5] =	ssyncadd.s32 @!p0 $0xFFFFFF80  }
0xb0: {  	_ =	swait.ge [sflag:s0], $0x80  }
0xb1: {  	[sflag:s0] =	ssyncset.done $0x0  }
0xb2: {  	[sflag:s0] =	ssyncadd.s32 $0xFFFFFF80  }
0xb3: {  	_ =	swait.ge [sflag:s0], $0x80  }
0xb4: {  	[sflag:s0] =	ssyncset.done $0x0  }
0xb5: {  	[sflag:s0] =	ssyncadd.s32 $0xFFFFFF80  }
0xb6: {  	_ =	swait.ge [sflag:s0], $0x80  }
0xb7: {  	[sflag:s0] =	ssyncset.done $0x0  }
0xb8: {  	[sflag:s0] =	ssyncadd.s32 $0xFFFFFF80  }
0xb9: {  	_ =	swait.ge [sflag:s0], $0x80  }
0xba: {  	[sflag:s0] =	ssyncset.done $0x0  }
0xbb: {  	[sflag:s0] =	ssyncadd.s32 $0xFFFFFF80  }
0xbc: {  	_ =	swait.ge [sflag:s0], $0x80  }
0xbd: {  	[sflag:s0] =	ssyncset.done $0x0  }
0xbe: {  	[sflag:s0] =	ssyncadd.s32 $0xFFFFFF80  }
0xbf: {  	_ =	swait.ge [sflag:s0], $0x80  }
0xc0: {  	[sflag:s0] =	ssyncset.done $0x0  }
0xc1: {  	[sflag:s0] =	ssyncadd.s32 $0xFFFFFF80  }
0xc2: {  	_ =	swait.ge [sflag:s0], $0x80  }
0xc3: {  	[sflag:s0] =	ssyncset.done $0x0  }
0xc4: {  	[sflag:s0] =	ssyncadd.s32 $0xFFFFFF80  }
0xc5: {  	s2 =	sadd.s32 $0x1, s2;
	_ =	swait.ge [sflag:s0], $0x80  }
0xc6: {  	p1 =	sne.s32 s2, s24;
	s8 =	simm.s32 $0x10;
	[sflag:s0] =	ssyncset.done $0x0  }
0xc7: {  	s30 =	simm.s32 $0x20;
	s6 =	sor.u32 $0x1C03, s22;
	[sflag:s0] =	ssyncadd.s32 $0xFFFFFF80  }
.Ltmp2:
0xc8: {  	s7 =	sshrl.u32 s4, $0x3;
	[bflag:$0x0] =	sbarrier.arrive $0xFFFF;
	(pc) =	sbr.rel @p1 .LBB2_1-.Ltmp2, $4  }
0xc9: {  	[hbm:s23@s30], [sflag:s6] =	dma.strided [spmem:s7@s8], $0x2000, s31, $0x10   }
0xca: {  	_ =	swait.ge [sflag:s29], $0x2000  }
0xcb: {  	[sflag:s29] =	ssyncset.done $0x0  }
0xcc: {  	[sflag:s29] =	ssyncadd.s32 $0xFFFFE000  }
0xcd: {  	_ =	sfence.sel $0x180000  }
0xce: {  	[bflag:$0x0] =	sbarrier.arrive $0xFFFF  }
0xcf: {  	_ =	strace $0x90000047  }
0xd0: {  	s0 =	stileid.u32;
	[bflag:$0x2] =	sbarrier.arrive $0xFFFF  }
0xd1: {  	p0 =	sne.s32 s0, $0x0;
	s0 =	rddreg [dreg:$0x3]  }
0xd2: {  	s0 =	sadd.s32 @!p0 $0x100000, s0  }
0xd3: {  	[sflag:s0] =	ssyncadd.tile.s32 @!p0 $0x1;
	_ =	shalt  }
.Lfunc_end2:
_tile_overlayer_lowered:
.L_overlay_start_2:
0xd4: {  	(tag) =	ssettag $0x2  }
0xd5: {  	s0 =	rddreg [dreg:$0x0];
	s2 =	stileid.u32  }
0xd6: {  	s1 =	rddreg [dreg:$0x1];
	p0 =	sne.s32 s2, $0x0  }
0xd7: {  	s3 =	rddreg [dreg:$0x2];
	[bflag:$0x3] =	sbarrier.arrive $0xFFFF;
	s2 =	simm.s32 @!p0 $0x1C03  }
0xd8: {  	[timem:s3], [sflag:s2] =	dma.local @!p0 [hbm:s0], s1  }
0xd9: {  	s0 =	simm.s32 @!p0 $0x3  }
0xda: {  	_ =	swait.ge @!p0 [sflag:s0], s1  }
0xdb: {  	s1 =	ssub.s32 @!p0 $0x0, s1;
	[sflag:s0] =	ssyncset.done @!p0 $0x0  }
0xdc: {  	[sflag:s0] =	ssyncadd.s32 @!p0 s1  }
0xdd: {  	[bflag:$0x3] =	sbarrier.arrive $0xFFFF  }
0xde: {  	_ =	shalt  }

</sc_bundles>
